<compile_context>
chip_gen: v7x
topology: tpu7x:2x2x1
jax: 0.10.2.dev20260603
libtpu: 0.0.44.dev20260713+nightly
codegen_flags: <defaults>
</compile_context>

<pallas_src>
import jax
import jax.numpy as jnp
from jax import lax
from jax.experimental import pallas as pl
from jax.experimental.pallas import tpu as pltpu
from jax.experimental.pallas import tpu_sc as plsc

N = 10000
E = 320000
D = 128
H = 128
GATE = 3 * H

NC = 2
NS = 16
CHUNK = 64
NBUF = 4
IG = 64
NCHUNK = 320
NGROUP = NCHUNK // IG
EPT = NCHUNK * CHUNK
E_PAD = EPT * NS
N_PAD = 10112
ZROWS = N_PAD // NS
RPT = 632
RPT_LAST = N - (NS - 1) * RPT

ROWS_TC = 1000


def _seg_sum_body(x_hbm, h_hbm, srcg_hbm, dstg_hbm, zeros_hbm, aggx_hbm,
                  aggh_hbm, src_v, dst_v, rows, sems, accum_sh):
    cid = lax.axis_index("c")
    sid = lax.axis_index("s")

    def gather(m, i):
        @pl.when(cid == 0)
        def _():
            pltpu.async_copy(x_hbm.at[src_v.at[m]], rows[i], sems[i])

        @pl.when(cid != 0)
        def _():
            pltpu.async_copy(h_hbm.at[src_v.at[m]], rows[i], sems[i])

    def stage_and_prime(g):
        pltpu.sync_copy(srcg_hbm.at[sid, pl.ds(g * IG, IG)], src_v)
        pltpu.sync_copy(dstg_hbm.at[sid, pl.ds(g * IG, IG)], dst_v)
        for i in range(NBUF - 1):
            gather(i, i)

    stage_and_prime(0)
    pltpu.sync_copy(zeros_hbm.at[pl.ds(sid * ZROWS, ZROWS)],
                    accum_sh.at[pl.ds(sid * ZROWS, ZROWS)])
    plsc.subcore_barrier()

    def group(g, carry):
        @pl.when(g > 0)
        def _():
            stage_and_prime(g)

        def quad(q, carry2):
            j = NBUF * q
            for i in range(NBUF):
                m = j + i
                nb = (i + NBUF - 1) % NBUF

                @pl.when(m + NBUF - 1 < IG)
                def _():
                    gather(m + NBUF - 1, nb)

                pltpu.make_async_copy(x_hbm.at[src_v.at[m]], rows[i],
                                      sems[i]).wait()
                pltpu.sync_copy(rows[i], accum_sh.at[dst_v.at[m]], add=True)
            return carry2

        lax.fori_loop(0, IG // NBUF, quad, 0)
        return carry

    lax.fori_loop(0, NGROUP, group, 0)
    plsc.subcore_barrier()

    sl = pl.ds(sid * RPT, RPT)
    sl_last = pl.ds((NS - 1) * RPT, RPT_LAST)
    last = sid == NS - 1

    @pl.when(jnp.logical_and(cid == 0, jnp.logical_not(last)))
    def _():
        pltpu.sync_copy(accum_sh.at[sl], aggx_hbm.at[sl])

    @pl.when(jnp.logical_and(cid == 0, last))
    def _():
        pltpu.sync_copy(accum_sh.at[sl_last], aggx_hbm.at[sl_last])

    @pl.when(jnp.logical_and(cid != 0, jnp.logical_not(last)))
    def _():
        pltpu.sync_copy(accum_sh.at[sl], aggh_hbm.at[sl])

    @pl.when(jnp.logical_and(cid != 0, last))
    def _():
        pltpu.sync_copy(accum_sh.at[sl_last], aggh_hbm.at[sl_last])


def _segment_sums(x, h, srcg, dstg, zeros):
    mesh = plsc.VectorSubcoreMesh(core_axis_name="c", subcore_axis_name="s")
    return pl.kernel(
        _seg_sum_body,
        out_type=(jax.ShapeDtypeStruct((N, D), jnp.float32),
                  jax.ShapeDtypeStruct((N, H), jnp.float32)),
        mesh=mesh,
        scratch_types=[
            pltpu.VMEM((IG, CHUNK), jnp.int32),
            pltpu.VMEM((IG, CHUNK), jnp.int32),
            [pltpu.VMEM((CHUNK, D), jnp.float32) for _ in range(NBUF)],
            [pltpu.SemaphoreType.DMA for _ in range(NBUF)],
            pltpu.VMEM_SHARED((N_PAD, D), jnp.float32),
        ],
    )(x, h, srcg, dstg, zeros)


def _gru_body(x_ref, h_ref, ax_ref, ah_ref, wx_ref, wh_ref, bx_ref, bh_ref,
              out_ref):
    xa = jnp.concatenate([x_ref[...], ax_ref[...]], axis=1)
    ha = jnp.concatenate([h_ref[...], ah_ref[...]], axis=1)
    wx = jnp.dot(xa, wx_ref[...], preferred_element_type=jnp.float32)
    wx = wx + bx_ref[...]
    wh = jnp.dot(ha, wh_ref[...], preferred_element_type=jnp.float32)
    wh = wh + bh_ref[...]
    r = jax.nn.sigmoid(wx[:, :H] + wh[:, :H])
    z = jax.nn.sigmoid(wx[:, H:2 * H] + wh[:, H:2 * H])
    q = jnp.tanh(wx[:, 2 * H:] + r * wh[:, 2 * H:])
    out_ref[...] = (1.0 - z) * q + z * h_ref[...]


def _gru_dense(x, h, agg_x, agg_h, wxc, whc, bxc, bhc):
    grid = (N // ROWS_TC,)
    row_spec = pl.BlockSpec((ROWS_TC, H), lambda i: (i, 0))
    w_spec = pl.BlockSpec((D + H, GATE), lambda i: (0, 0))
    b_spec = pl.BlockSpec((1, GATE), lambda i: (0, 0))
    return pl.pallas_call(
        _gru_body,
        grid=grid,
        in_specs=[row_spec, row_spec, row_spec, row_spec,
                  w_spec, w_spec, b_spec, b_spec],
        out_specs=row_spec,
        out_shape=jax.ShapeDtypeStruct((N, H), jnp.float32),
    )(x, h, agg_x, agg_h, wxc, whc, bxc, bhc)


def kernel(x, edge_index, h, Wx_rel, Wx_root, bx_rel, Wh_rel, Wh_root, bh_rel,
           bias):
    src = edge_index[0].astype(jnp.int32)
    dst = edge_index[1].astype(jnp.int32)
    pad = E_PAD - E
    src_p = jnp.concatenate([src, jnp.zeros((pad,), jnp.int32)])
    dst_p = jnp.concatenate([dst, jnp.full((pad,), N, jnp.int32)])
    srcg = src_p.reshape(NS, NCHUNK, CHUNK)
    dstg = dst_p.reshape(NS, NCHUNK, CHUNK)
    zeros = jnp.zeros((N_PAD, D), jnp.float32)

    agg_x, agg_h = _segment_sums(x, h, srcg, dstg, zeros)

    wxc = jnp.concatenate([Wx_root, Wx_rel], axis=0)
    whc = jnp.concatenate([Wh_root, Wh_rel], axis=0)
    bxc = (bx_rel + bias).reshape(1, GATE)
    bhc = bh_rel.reshape(1, GATE)
    return _gru_dense(x, h, agg_x, agg_h, wxc, whc, bxc, bhc)

# --- scband reference (transcript-rebuilt; emitter-appended) ---
"""Pipeline reference for scband-grugnncell-1795296330120 (READ-ONLY COPY).

The authoritative reference and input builder live on the scoring server;
editing this copy changes nothing except your own understanding.
"""

import jax, jax.numpy as jnp
import numpy as np

N = 10000
E = 320000
D_IN = 128
H = 128
GATE = 3 * H


def _graphconv(x, edge_index, W_rel, W_root, b_rel):
    # PyG GraphConv (aggr='add'): out_i = W_root x_i + W_rel * sum_{j in N(i)} x_j + b_rel
    src = edge_index[0]
    dst = edge_index[1]
    msgs = jnp.take(x, src, axis=0)
    agg = jax.ops.segment_sum(msgs, dst, num_segments=x.shape[0])
    return agg @ W_rel + b_rel + x @ W_root


def setup_inputs(seed: int = 0) -> dict:
    key = jax.random.key(seed)
    ks = jax.random.split(key, 10)
    x = jax.random.normal(ks[0], (N, D_IN), dtype=jnp.float32)
    edge_index = jax.random.randint(ks[1], (2, E), 0, N, dtype=jnp.int64)
    h = jax.random.normal(ks[2], (N, H), dtype=jnp.float32)
    # Wx GNN: single GraphConv layer input_size -> 3*hidden_size (xavier-like scale)
    sx = 1.0 / np.sqrt(D_IN)
    Wx_rel = jax.random.normal(ks[3], (D_IN, GATE), dtype=jnp.float32) * sx
    Wx_root = jax.random.normal(ks[4], (D_IN, GATE), dtype=jnp.float32) * sx
    bx_rel = jax.random.uniform(ks[5], (GATE,), dtype=jnp.float32, minval=-1.0 / np.sqrt(H), maxval=1.0 / np.sqrt(H))
    # Wh GNN: single GraphConv layer hidden_size -> 3*hidden_size
    sh = 1.0 / np.sqrt(H)
    Wh_rel = jax.random.normal(ks[6], (H, GATE), dtype=jnp.float32) * sh
    Wh_root = jax.random.normal(ks[7], (H, GATE), dtype=jnp.float32) * sh
    bh_rel = jax.random.uniform(ks[8], (GATE,), dtype=jnp.float32, minval=-sh, maxval=sh)
    bias = jax.random.uniform(ks[9], (GATE,), dtype=jnp.float32, minval=-sh, maxval=sh)
    return {"x": x, "edge_index": edge_index, "h": h,
            "Wx_rel": Wx_rel, "Wx_root": Wx_root, "bx_rel": bx_rel,
            "Wh_rel": Wh_rel, "Wh_root": Wh_root, "bh_rel": bh_rel,
            "bias": bias}


def reference(x, edge_index, h, Wx_rel, Wx_root, bx_rel, Wh_rel, Wh_root, bh_rel, bias):
    wx = _graphconv(x, edge_index, Wx_rel, Wx_root, bx_rel)
    wh = _graphconv(h, edge_index, Wh_rel, Wh_root, bh_rel)
    wrx, wzx, wqx = wx[:, :H], wx[:, H:2 * H], wx[:, 2 * H:]
    wrh, wzh, wqh = wh[:, :H], wh[:, H:2 * H], wh[:, 2 * H:]
    br, bz, bq = bias[:H], bias[H:2 * H], bias[2 * H:]
    r = jax.nn.sigmoid(wrx + wrh + br)
    z = jax.nn.sigmoid(wzx + wzh + bz)
    q = jnp.tanh(wqx + r * wqh + bq)
    h_new = (1 - z) * q + z * h
    return h_new

if __name__ == "__main__":
    import jax
    _d = setup_inputs()
    print(jax.jit(kernel)(*tuple(_d.values())))

</pallas_src>

<mosaic_0001>
#map = affine_map<(d0, d1) -> (0, 0)>
#map1 = affine_map<(d0, d1) -> (0, 0, 0)>
module attributes {stable_mosaic.version = 14 : i64} {
  func.func @_seg_sum_body(%arg0: i32, %arg1: i32, %arg2: memref<10000x128xf32, #tpu.memory_space<hbm>>, %arg3: memref<10000x128xf32, #tpu.memory_space<hbm>>, %arg4: memref<16x320x64xi32, #tpu.memory_space<hbm>>, %arg5: memref<16x320x64xi32, #tpu.memory_space<hbm>>, %arg6: memref<10112x128xf32, #tpu.memory_space<hbm>>, %arg7: memref<10000x128xf32, #tpu.memory_space<hbm>>, %arg8: memref<10000x128xf32, #tpu.memory_space<hbm>>, %arg9: memref<64x64xi32, #tpu.memory_space<vmem>>, %arg10: memref<64x64xi32, #tpu.memory_space<vmem>>, %arg11: memref<64x128xf32, #tpu.memory_space<vmem>>, %arg12: memref<64x128xf32, #tpu.memory_space<vmem>>, %arg13: memref<64x128xf32, #tpu.memory_space<vmem>>, %arg14: memref<64x128xf32, #tpu.memory_space<vmem>>, %arg15: memref<!tpu.dma_semaphore, #tpu.memory_space<semaphore_mem>>, %arg16: memref<!tpu.dma_semaphore, #tpu.memory_space<semaphore_mem>>, %arg17: memref<!tpu.dma_semaphore, #tpu.memory_space<semaphore_mem>>, %arg18: memref<!tpu.dma_semaphore, #tpu.memory_space<semaphore_mem>>, %arg19: memref<10112x128xf32, #tpu.memory_space<vmem_shared>>) attributes {dimension_semantics = [#tpu.dimension_semantics<core_parallel>, #tpu.dimension_semantics<subcore_parallel>], iteration_bounds = array<i64: 2, 16>, scalar_prefetch = 0 : i64, scratch_operands = 11 : i64, tpu.core_type = #tpu.core_type<sc_vector_subcore>, window_params = [{transform_indices = #map}, {transform_indices = #map}, {transform_indices = #map1}, {transform_indices = #map1}, {transform_indices = #map}, {transform_indices = #map}, {transform_indices = #map}]} {
    "tpu.region"() ({
      %run_scoped3A = tpu.sem_alloc : memref<!tpu.dma_semaphore, #tpu.memory_space<semaphore_mem>>
      %dma_start3A = arith.constant 0 : i32
      %dma_start3A_65 = arith.constant 0 : i32
      %dma_start3A_66 = tpu.memref_slice %arg4[%arg1, %dma_start3A, %dma_start3A_65] : memref<16x320x64xi32, #tpu.memory_space<hbm>> -> memref<1x64x64xi32, #tpu.memory_space<hbm>>
      %dma_start3A_67 = tpu.memref_squeeze %dma_start3A_66 : memref<1x64x64xi32, #tpu.memory_space<hbm>> -> memref<64x64xi32, #tpu.memory_space<hbm>>
      %dma_start3A_68 = arith.constant 0 : i32
      %dma_start3A_69 = arith.constant 0 : i32
      %dma_start3A_70 = tpu.memref_slice %arg4[%arg1, %dma_start3A_68, %dma_start3A_69] : memref<16x320x64xi32, #tpu.memory_space<hbm>> -> memref<1x64x64xi32, #tpu.memory_space<hbm>>
      %dma_start3A_71 = tpu.memref_squeeze %dma_start3A_70 : memref<1x64x64xi32, #tpu.memory_space<hbm>> -> memref<64x64xi32, #tpu.memory_space<hbm>>
      tpu.enqueue_dma source(%dma_start3A_71 : memref<64x64xi32, #tpu.memory_space<hbm>>) target(%arg9 : memref<64x64xi32, #tpu.memory_space<vmem>>) target_semaphore(%run_scoped3A : memref<!tpu.dma_semaphore, #tpu.memory_space<semaphore_mem>>)
      %dma_wait3A = arith.constant 0 : i32
      %dma_wait3A_72 = arith.constant 0 : i32
      %dma_wait3A_73 = tpu.memref_slice %arg4[%arg1, %dma_wait3A, %dma_wait3A_72] : memref<16x320x64xi32, #tpu.memory_space<hbm>> -> memref<1x64x64xi32, #tpu.memory_space<hbm>>
      %dma_wait3A_74 = tpu.memref_squeeze %dma_wait3A_73 : memref<1x64x64xi32, #tpu.memory_space<hbm>> -> memref<64x64xi32, #tpu.memory_space<hbm>>
      %dma_wait3A_75 = arith.constant 0 : i32
      %dma_wait3A_76 = arith.constant 0 : i32
      %dma_wait3A_77 = tpu.memref_slice %arg4[%arg1, %dma_wait3A_75, %dma_wait3A_76] : memref<16x320x64xi32, #tpu.memory_space<hbm>> -> memref<1x64x64xi32, #tpu.memory_space<hbm>>
      %dma_wait3A_78 = tpu.memref_squeeze %dma_wait3A_77 : memref<1x64x64xi32, #tpu.memory_space<hbm>> -> memref<64x64xi32, #tpu.memory_space<hbm>>
      tpu.wait_dma2 semaphore(%run_scoped3A : memref<!tpu.dma_semaphore, #tpu.memory_space<semaphore_mem>>) src(%dma_wait3A_78 : memref<64x64xi32, #tpu.memory_space<hbm>>) dst(%arg9 : memref<64x64xi32, #tpu.memory_space<vmem>>)
      tpu.yield
    }) : () -> ()
    "tpu.region"() ({
      %run_scoped3A = tpu.sem_alloc : memref<!tpu.dma_semaphore, #tpu.memory_space<semaphore_mem>>
      %dma_start3A = arith.constant 0 : i32
      %dma_start3A_65 = arith.constant 0 : i32
      %dma_start3A_66 = tpu.memref_slice %arg5[%arg1, %dma_start3A, %dma_start3A_65] : memref<16x320x64xi32, #tpu.memory_space<hbm>> -> memref<1x64x64xi32, #tpu.memory_space<hbm>>
      %dma_start3A_67 = tpu.memref_squeeze %dma_start3A_66 : memref<1x64x64xi32, #tpu.memory_space<hbm>> -> memref<64x64xi32, #tpu.memory_space<hbm>>
      %dma_start3A_68 = arith.constant 0 : i32
      %dma_start3A_69 = arith.constant 0 : i32
      %dma_start3A_70 = tpu.memref_slice %arg5[%arg1, %dma_start3A_68, %dma_start3A_69] : memref<16x320x64xi32, #tpu.memory_space<hbm>> -> memref<1x64x64xi32, #tpu.memory_space<hbm>>
      %dma_start3A_71 = tpu.memref_squeeze %dma_start3A_70 : memref<1x64x64xi32, #tpu.memory_space<hbm>> -> memref<64x64xi32, #tpu.memory_space<hbm>>
      tpu.enqueue_dma source(%dma_start3A_71 : memref<64x64xi32, #tpu.memory_space<hbm>>) target(%arg10 : memref<64x64xi32, #tpu.memory_space<vmem>>) target_semaphore(%run_scoped3A : memref<!tpu.dma_semaphore, #tpu.memory_space<semaphore_mem>>)
      %dma_wait3A = arith.constant 0 : i32
      %dma_wait3A_72 = arith.constant 0 : i32
      %dma_wait3A_73 = tpu.memref_slice %arg5[%arg1, %dma_wait3A, %dma_wait3A_72] : memref<16x320x64xi32, #tpu.memory_space<hbm>> -> memref<1x64x64xi32, #tpu.memory_space<hbm>>
      %dma_wait3A_74 = tpu.memref_squeeze %dma_wait3A_73 : memref<1x64x64xi32, #tpu.memory_space<hbm>> -> memref<64x64xi32, #tpu.memory_space<hbm>>
      %dma_wait3A_75 = arith.constant 0 : i32
      %dma_wait3A_76 = arith.constant 0 : i32
      %dma_wait3A_77 = tpu.memref_slice %arg5[%arg1, %dma_wait3A_75, %dma_wait3A_76] : memref<16x320x64xi32, #tpu.memory_space<hbm>> -> memref<1x64x64xi32, #tpu.memory_space<hbm>>
      %dma_wait3A_78 = tpu.memref_squeeze %dma_wait3A_77 : memref<1x64x64xi32, #tpu.memory_space<hbm>> -> memref<64x64xi32, #tpu.memory_space<hbm>>
      tpu.wait_dma2 semaphore(%run_scoped3A : memref<!tpu.dma_semaphore, #tpu.memory_space<semaphore_mem>>) src(%dma_wait3A_78 : memref<64x64xi32, #tpu.memory_space<hbm>>) dst(%arg10 : memref<64x64xi32, #tpu.memory_space<vmem>>)
      tpu.yield
    }) : () -> ()
    %eq3A = arith.constant 0 : i32
    %eq3A_0 = arith.cmpi eq, %arg0, %eq3A : i32
    %convert_element_type3A = arith.extui %eq3A_0 : i1 to i32
    %cond3A = arith.constant 0 : i32
    %cond3A_1 = arith.cmpi ne, %convert_element_type3A, %cond3A : i32
    scf.if %cond3A_1 {
      %dma_start3A = arith.constant 0 : i32
      %dma_start3A_65 = arith.constant 0 : i32
      %dma_start3A_66 = tpu.memref_slice %arg9[%dma_start3A, %dma_start3A_65] : memref<64x64xi32, #tpu.memory_space<vmem>> -> memref<1x64xi32, #tpu.memory_space<vmem>>
      %dma_start3A_67 = tpu.memref_squeeze %dma_start3A_66 : memref<1x64xi32, #tpu.memory_space<vmem>> -> memref<64xi32, #tpu.memory_space<vmem>>
      %dma_start3A_68 = arith.constant 0 : i32
      %dma_start3A_69 = arith.constant 0 : i32
      %dma_start3A_70 = tpu.memref_slice %arg2[%dma_start3A_68, %dma_start3A_69] : memref<10000x128xf32, #tpu.memory_space<hbm>> -> memref<10000x128xf32, #tpu.memory_space<hbm>>
      tpu.enqueue_indirect_dma source(%dma_start3A_70 : memref<10000x128xf32, #tpu.memory_space<hbm>>) target(%arg11 : memref<64x128xf32, #tpu.memory_space<vmem>>) offsets(%dma_start3A_67 : memref<64xi32, #tpu.memory_space<vmem>>) semaphore(%arg15 : memref<!tpu.dma_semaphore, #tpu.memory_space<semaphore_mem>>)
    } else {
    }
    %ne3A = arith.constant 0 : i32
    %ne3A_2 = arith.cmpi ne, %arg0, %ne3A : i32
    %convert_element_type3A_3 = arith.extui %ne3A_2 : i1 to i32
    %cond3A_4 = arith.constant 0 : i32
    %cond3A_5 = arith.cmpi ne, %convert_element_type3A_3, %cond3A_4 : i32
    scf.if %cond3A_5 {
      %dma_start3A = arith.constant 0 : i32
      %dma_start3A_65 = arith.constant 0 : i32
      %dma_start3A_66 = tpu.memref_slice %arg9[%dma_start3A, %dma_start3A_65] : memref<64x64xi32, #tpu.memory_space<vmem>> -> memref<1x64xi32, #tpu.memory_space<vmem>>
      %dma_start3A_67 = tpu.memref_squeeze %dma_start3A_66 : memref<1x64xi32, #tpu.memory_space<vmem>> -> memref<64xi32, #tpu.memory_space<vmem>>
      %dma_start3A_68 = arith.constant 0 : i32
      %dma_start3A_69 = arith.constant 0 : i32
      %dma_start3A_70 = tpu.memref_slice %arg3[%dma_start3A_68, %dma_start3A_69] : memref<10000x128xf32, #tpu.memory_space<hbm>> -> memref<10000x128xf32, #tpu.memory_space<hbm>>
      tpu.enqueue_indirect_dma source(%dma_start3A_70 : memref<10000x128xf32, #tpu.memory_space<hbm>>) target(%arg11 : memref<64x128xf32, #tpu.memory_space<vmem>>) offsets(%dma_start3A_67 : memref<64xi32, #tpu.memory_space<vmem>>) semaphore(%arg15 : memref<!tpu.dma_semaphore, #tpu.memory_space<semaphore_mem>>)
    } else {
    }
    %eq3A_6 = arith.constant 0 : i32
    %eq3A_7 = arith.cmpi eq, %arg0, %eq3A_6 : i32
    %convert_element_type3A_8 = arith.extui %eq3A_7 : i1 to i32
    %cond3A_9 = arith.constant 0 : i32
    %cond3A_10 = arith.cmpi ne, %convert_element_type3A_8, %cond3A_9 : i32
    scf.if %cond3A_10 {
      %dma_start3A = arith.constant 1 : i32
      %dma_start3A_65 = arith.constant 0 : i32
      %dma_start3A_66 = tpu.memref_slice %arg9[%dma_start3A, %dma_start3A_65] : memref<64x64xi32, #tpu.memory_space<vmem>> -> memref<1x64xi32, #tpu.memory_space<vmem>>
      %dma_start3A_67 = tpu.memref_squeeze %dma_start3A_66 : memref<1x64xi32, #tpu.memory_space<vmem>> -> memref<64xi32, #tpu.memory_space<vmem>>
      %dma_start3A_68 = arith.constant 0 : i32
      %dma_start3A_69 = arith.constant 0 : i32
      %dma_start3A_70 = tpu.memref_slice %arg2[%dma_start3A_68, %dma_start3A_69] : memref<10000x128xf32, #tpu.memory_space<hbm>> -> memref<10000x128xf32, #tpu.memory_space<hbm>>
      tpu.enqueue_indirect_dma source(%dma_start3A_70 : memref<10000x128xf32, #tpu.memory_space<hbm>>) target(%arg12 : memref<64x128xf32, #tpu.memory_space<vmem>>) offsets(%dma_start3A_67 : memref<64xi32, #tpu.memory_space<vmem>>) semaphore(%arg16 : memref<!tpu.dma_semaphore, #tpu.memory_space<semaphore_mem>>)
    } else {
    }
    %ne3A_11 = arith.constant 0 : i32
    %ne3A_12 = arith.cmpi ne, %arg0, %ne3A_11 : i32
    %convert_element_type3A_13 = arith.extui %ne3A_12 : i1 to i32
    %cond3A_14 = arith.constant 0 : i32
    %cond3A_15 = arith.cmpi ne, %convert_element_type3A_13, %cond3A_14 : i32
    scf.if %cond3A_15 {
      %dma_start3A = arith.constant 1 : i32
      %dma_start3A_65 = arith.constant 0 : i32
      %dma_start3A_66 = tpu.memref_slice %arg9[%dma_start3A, %dma_start3A_65] : memref<64x64xi32, #tpu.memory_space<vmem>> -> memref<1x64xi32, #tpu.memory_space<vmem>>
      %dma_start3A_67 = tpu.memref_squeeze %dma_start3A_66 : memref<1x64xi32, #tpu.memory_space<vmem>> -> memref<64xi32, #tpu.memory_space<vmem>>
      %dma_start3A_68 = arith.constant 0 : i32
      %dma_start3A_69 = arith.constant 0 : i32
      %dma_start3A_70 = tpu.memref_slice %arg3[%dma_start3A_68, %dma_start3A_69] : memref<10000x128xf32, #tpu.memory_space<hbm>> -> memref<10000x128xf32, #tpu.memory_space<hbm>>
      tpu.enqueue_indirect_dma source(%dma_start3A_70 : memref<10000x128xf32, #tpu.memory_space<hbm>>) target(%arg12 : memref<64x128xf32, #tpu.memory_space<vmem>>) offsets(%dma_start3A_67 : memref<64xi32, #tpu.memory_space<vmem>>) semaphore(%arg16 : memref<!tpu.dma_semaphore, #tpu.memory_space<semaphore_mem>>)
    } else {
    }
    %eq3A_16 = arith.constant 0 : i32
    %eq3A_17 = arith.cmpi eq, %arg0, %eq3A_16 : i32
    %convert_element_type3A_18 = arith.extui %eq3A_17 : i1 to i32
    %cond3A_19 = arith.constant 0 : i32
    %cond3A_20 = arith.cmpi ne, %convert_element_type3A_18, %cond3A_19 : i32
    scf.if %cond3A_20 {
      %dma_start3A = arith.constant 2 : i32
      %dma_start3A_65 = arith.constant 0 : i32
      %dma_start3A_66 = tpu.memref_slice %arg9[%dma_start3A, %dma_start3A_65] : memref<64x64xi32, #tpu.memory_space<vmem>> -> memref<1x64xi32, #tpu.memory_space<vmem>>
      %dma_start3A_67 = tpu.memref_squeeze %dma_start3A_66 : memref<1x64xi32, #tpu.memory_space<vmem>> -> memref<64xi32, #tpu.memory_space<vmem>>
      %dma_start3A_68 = arith.constant 0 : i32
      %dma_start3A_69 = arith.constant 0 : i32
      %dma_start3A_70 = tpu.memref_slice %arg2[%dma_start3A_68, %dma_start3A_69] : memref<10000x128xf32, #tpu.memory_space<hbm>> -> memref<10000x128xf32, #tpu.memory_space<hbm>>
      tpu.enqueue_indirect_dma source(%dma_start3A_70 : memref<10000x128xf32, #tpu.memory_space<hbm>>) target(%arg13 : memref<64x128xf32, #tpu.memory_space<vmem>>) offsets(%dma_start3A_67 : memref<64xi32, #tpu.memory_space<vmem>>) semaphore(%arg17 : memref<!tpu.dma_semaphore, #tpu.memory_space<semaphore_mem>>)
    } else {
    }
    %ne3A_21 = arith.constant 0 : i32
    %ne3A_22 = arith.cmpi ne, %arg0, %ne3A_21 : i32
    %convert_element_type3A_23 = arith.extui %ne3A_22 : i1 to i32
    %cond3A_24 = arith.constant 0 : i32
    %cond3A_25 = arith.cmpi ne, %convert_element_type3A_23, %cond3A_24 : i32
    scf.if %cond3A_25 {
      %dma_start3A = arith.constant 2 : i32
      %dma_start3A_65 = arith.constant 0 : i32
      %dma_start3A_66 = tpu.memref_slice %arg9[%dma_start3A, %dma_start3A_65] : memref<64x64xi32, #tpu.memory_space<vmem>> -> memref<1x64xi32, #tpu.memory_space<vmem>>
      %dma_start3A_67 = tpu.memref_squeeze %dma_start3A_66 : memref<1x64xi32, #tpu.memory_space<vmem>> -> memref<64xi32, #tpu.memory_space<vmem>>
      %dma_start3A_68 = arith.constant 0 : i32
      %dma_start3A_69 = arith.constant 0 : i32
      %dma_start3A_70 = tpu.memref_slice %arg3[%dma_start3A_68, %dma_start3A_69] : memref<10000x128xf32, #tpu.memory_space<hbm>> -> memref<10000x128xf32, #tpu.memory_space<hbm>>
      tpu.enqueue_indirect_dma source(%dma_start3A_70 : memref<10000x128xf32, #tpu.memory_space<hbm>>) target(%arg13 : memref<64x128xf32, #tpu.memory_space<vmem>>) offsets(%dma_start3A_67 : memref<64xi32, #tpu.memory_space<vmem>>) semaphore(%arg17 : memref<!tpu.dma_semaphore, #tpu.memory_space<semaphore_mem>>)
    } else {
    }
    %mul3A = arith.constant 632 : i32
    %mul3A_26 = arith.muli %arg1, %mul3A : i32
    %mul3A_27 = arith.constant 632 : i32
    %mul3A_28 = arith.muli %arg1, %mul3A_27 : i32
    "tpu.region"() ({
      %run_scoped3A = tpu.sem_alloc : memref<!tpu.dma_semaphore, #tpu.memory_space<semaphore_mem>>
      %dma_start3A = arith.constant 0 : i32
      %dma_start3A_65 = tpu.memref_slice %arg19[%mul3A_28, %dma_start3A] : memref<10112x128xf32, #tpu.memory_space<vmem_shared>> -> memref<632x128xf32, #tpu.memory_space<vmem_shared>>
      %dma_start3A_66 = arith.constant 0 : i32
      %dma_start3A_67 = tpu.memref_slice %arg6[%mul3A_26, %dma_start3A_66] : memref<10112x128xf32, #tpu.memory_space<hbm>> -> memref<632x128xf32, #tpu.memory_space<hbm>>
      tpu.enqueue_dma source(%dma_start3A_67 : memref<632x128xf32, #tpu.memory_space<hbm>>) target(%dma_start3A_65 : memref<632x128xf32, #tpu.memory_space<vmem_shared>>) target_semaphore(%run_scoped3A : memref<!tpu.dma_semaphore, #tpu.memory_space<semaphore_mem>>)
      %dma_wait3A = arith.constant 0 : i32
      %dma_wait3A_68 = tpu.memref_slice %arg19[%mul3A_28, %dma_wait3A] : memref<10112x128xf32, #tpu.memory_space<vmem_shared>> -> memref<632x128xf32, #tpu.memory_space<vmem_shared>>
      %dma_wait3A_69 = arith.constant 0 : i32
      %dma_wait3A_70 = tpu.memref_slice %arg6[%mul3A_26, %dma_wait3A_69] : memref<10112x128xf32, #tpu.memory_space<hbm>> -> memref<632x128xf32, #tpu.memory_space<hbm>>
      tpu.wait_dma2 semaphore(%run_scoped3A : memref<!tpu.dma_semaphore, #tpu.memory_space<semaphore_mem>>) src(%dma_wait3A_70 : memref<632x128xf32, #tpu.memory_space<hbm>>) dst(%dma_wait3A_68 : memref<632x128xf32, #tpu.memory_space<vmem_shared>>)
      tpu.yield
    }) : () -> ()
    %barrier3A = arith.constant 0 : index
    tpu.barrier barrier_id(%barrier3A)
    %scan3A = arith.constant 0 : i32
    %scan3A_29 = arith.constant 0 : i32
    %scan3A_30 = arith.constant 5 : i32
    %scan3A_31 = arith.addi %scan3A_29, %scan3A_30 : i32
    %scan3A_32 = arith.constant 1 : i32
    scf.for %scan3A_65 = %scan3A_29 to %scan3A_31 step %scan3A_32  : i32 {
      %gt3A = arith.constant 0 : i32
      %gt3A_66 = arith.cmpi sgt, %scan3A_65, %gt3A : i32
      %convert_element_type3A_67 = arith.extui %gt3A_66 : i1 to i32
      %cond3A_68 = arith.constant 0 : i32
      %cond3A_69 = arith.cmpi ne, %convert_element_type3A_67, %cond3A_68 : i32
      scf.if %cond3A_69 {
        %mul3A_76 = arith.constant 64 : i32
        %mul3A_77 = arith.muli %scan3A_65, %mul3A_76 : i32
        "tpu.region"() ({
          %run_scoped3A = tpu.sem_alloc : memref<!tpu.dma_semaphore, #tpu.memory_space<semaphore_mem>>
          %dma_start3A = arith.constant 0 : i32
          %dma_start3A_110 = tpu.memref_slice %arg4[%arg1, %mul3A_77, %dma_start3A] : memref<16x320x64xi32, #tpu.memory_space<hbm>> -> memref<1x64x64xi32, #tpu.memory_space<hbm>>
          %dma_start3A_111 = tpu.memref_squeeze %dma_start3A_110 : memref<1x64x64xi32, #tpu.memory_space<hbm>> -> memref<64x64xi32, #tpu.memory_space<hbm>>
          %dma_start3A_112 = arith.constant 0 : i32
          %dma_start3A_113 = tpu.memref_slice %arg4[%arg1, %mul3A_77, %dma_start3A_112] : memref<16x320x64xi32, #tpu.memory_space<hbm>> -> memref<1x64x64xi32, #tpu.memory_space<hbm>>
          %dma_start3A_114 = tpu.memref_squeeze %dma_start3A_113 : memref<1x64x64xi32, #tpu.memory_space<hbm>> -> memref<64x64xi32, #tpu.memory_space<hbm>>
          tpu.enqueue_dma source(%dma_start3A_114 : memref<64x64xi32, #tpu.memory_space<hbm>>) target(%arg9 : memref<64x64xi32, #tpu.memory_space<vmem>>) target_semaphore(%run_scoped3A : memref<!tpu.dma_semaphore, #tpu.memory_space<semaphore_mem>>)
          %dma_wait3A = arith.constant 0 : i32
          %dma_wait3A_115 = tpu.memref_slice %arg4[%arg1, %mul3A_77, %dma_wait3A] : memref<16x320x64xi32, #tpu.memory_space<hbm>> -> memref<1x64x64xi32, #tpu.memory_space<hbm>>
          %dma_wait3A_116 = tpu.memref_squeeze %dma_wait3A_115 : memref<1x64x64xi32, #tpu.memory_space<hbm>> -> memref<64x64xi32, #tpu.memory_space<hbm>>
          %dma_wait3A_117 = arith.constant 0 : i32
          %dma_wait3A_118 = tpu.memref_slice %arg4[%arg1, %mul3A_77, %dma_wait3A_117] : memref<16x320x64xi32, #tpu.memory_space<hbm>> -> memref<1x64x64xi32, #tpu.memory_space<hbm>>
          %dma_wait3A_119 = tpu.memref_squeeze %dma_wait3A_118 : memref<1x64x64xi32, #tpu.memory_space<hbm>> -> memref<64x64xi32, #tpu.memory_space<hbm>>
          tpu.wait_dma2 semaphore(%run_scoped3A : memref<!tpu.dma_semaphore, #tpu.memory_space<semaphore_mem>>) src(%dma_wait3A_119 : memref<64x64xi32, #tpu.memory_space<hbm>>) dst(%arg9 : memref<64x64xi32, #tpu.memory_space<vmem>>)
          tpu.yield
        }) : () -> ()
        %mul3A_78 = arith.constant 64 : i32
        %mul3A_79 = arith.muli %scan3A_65, %mul3A_78 : i32
        "tpu.region"() ({
          %run_scoped3A = tpu.sem_alloc : memref<!tpu.dma_semaphore, #tpu.memory_space<semaphore_mem>>
          %dma_start3A = arith.constant 0 : i32
          %dma_start3A_110 = tpu.memref_slice %arg5[%arg1, %mul3A_79, %dma_start3A] : memref<16x320x64xi32, #tpu.memory_space<hbm>> -> memref<1x64x64xi32, #tpu.memory_space<hbm>>
          %dma_start3A_111 = tpu.memref_squeeze %dma_start3A_110 : memref<1x64x64xi32, #tpu.memory_space<hbm>> -> memref<64x64xi32, #tpu.memory_space<hbm>>
          %dma_start3A_112 = arith.constant 0 : i32
          %dma_start3A_113 = tpu.memref_slice %arg5[%arg1, %mul3A_79, %dma_start3A_112] : memref<16x320x64xi32, #tpu.memory_space<hbm>> -> memref<1x64x64xi32, #tpu.memory_space<hbm>>
          %dma_start3A_114 = tpu.memref_squeeze %dma_start3A_113 : memref<1x64x64xi32, #tpu.memory_space<hbm>> -> memref<64x64xi32, #tpu.memory_space<hbm>>
          tpu.enqueue_dma source(%dma_start3A_114 : memref<64x64xi32, #tpu.memory_space<hbm>>) target(%arg10 : memref<64x64xi32, #tpu.memory_space<vmem>>) target_semaphore(%run_scoped3A : memref<!tpu.dma_semaphore, #tpu.memory_space<semaphore_mem>>)
          %dma_wait3A = arith.constant 0 : i32
          %dma_wait3A_115 = tpu.memref_slice %arg5[%arg1, %mul3A_79, %dma_wait3A] : memref<16x320x64xi32, #tpu.memory_space<hbm>> -> memref<1x64x64xi32, #tpu.memory_space<hbm>>
          %dma_wait3A_116 = tpu.memref_squeeze %dma_wait3A_115 : memref<1x64x64xi32, #tpu.memory_space<hbm>> -> memref<64x64xi32, #tpu.memory_space<hbm>>
          %dma_wait3A_117 = arith.constant 0 : i32
          %dma_wait3A_118 = tpu.memref_slice %arg5[%arg1, %mul3A_79, %dma_wait3A_117] : memref<16x320x64xi32, #tpu.memory_space<hbm>> -> memref<1x64x64xi32, #tpu.memory_space<hbm>>
          %dma_wait3A_119 = tpu.memref_squeeze %dma_wait3A_118 : memref<1x64x64xi32, #tpu.memory_space<hbm>> -> memref<64x64xi32, #tpu.memory_space<hbm>>
          tpu.wait_dma2 semaphore(%run_scoped3A : memref<!tpu.dma_semaphore, #tpu.memory_space<semaphore_mem>>) src(%dma_wait3A_119 : memref<64x64xi32, #tpu.memory_space<hbm>>) dst(%arg10 : memref<64x64xi32, #tpu.memory_space<vmem>>)
          tpu.yield
        }) : () -> ()
        %eq3A_80 = arith.constant 0 : i32
        %eq3A_81 = arith.cmpi eq, %arg0, %eq3A_80 : i32
        %convert_element_type3A_82 = arith.extui %eq3A_81 : i1 to i32
        %cond3A_83 = arith.constant 0 : i32
        %cond3A_84 = arith.cmpi ne, %convert_element_type3A_82, %cond3A_83 : i32
        scf.if %cond3A_84 {
          %dma_start3A = arith.constant 0 : i32
          %dma_start3A_110 = arith.constant 0 : i32
          %dma_start3A_111 = tpu.memref_slice %arg9[%dma_start3A, %dma_start3A_110] : memref<64x64xi32, #tpu.memory_space<vmem>> -> memref<1x64xi32, #tpu.memory_space<vmem>>
          %dma_start3A_112 = tpu.memref_squeeze %dma_start3A_111 : memref<1x64xi32, #tpu.memory_space<vmem>> -> memref<64xi32, #tpu.memory_space<vmem>>
          %dma_start3A_113 = arith.constant 0 : i32
          %dma_start3A_114 = arith.constant 0 : i32
          %dma_start3A_115 = tpu.memref_slice %arg2[%dma_start3A_113, %dma_start3A_114] : memref<10000x128xf32, #tpu.memory_space<hbm>> -> memref<10000x128xf32, #tpu.memory_space<hbm>>
          tpu.enqueue_indirect_dma source(%dma_start3A_115 : memref<10000x128xf32, #tpu.memory_space<hbm>>) target(%arg11 : memref<64x128xf32, #tpu.memory_space<vmem>>) offsets(%dma_start3A_112 : memref<64xi32, #tpu.memory_space<vmem>>) semaphore(%arg15 : memref<!tpu.dma_semaphore, #tpu.memory_space<semaphore_mem>>)
        } else {
        }
        %ne3A_85 = arith.constant 0 : i32
        %ne3A_86 = arith.cmpi ne, %arg0, %ne3A_85 : i32
        %convert_element_type3A_87 = arith.extui %ne3A_86 : i1 to i32
        %cond3A_88 = arith.constant 0 : i32
        %cond3A_89 = arith.cmpi ne, %convert_element_type3A_87, %cond3A_88 : i32
        scf.if %cond3A_89 {
          %dma_start3A = arith.constant 0 : i32
          %dma_start3A_110 = arith.constant 0 : i32
          %dma_start3A_111 = tpu.memref_slice %arg9[%dma_start3A, %dma_start3A_110] : memref<64x64xi32, #tpu.memory_space<vmem>> -> memref<1x64xi32, #tpu.memory_space<vmem>>
          %dma_start3A_112 = tpu.memref_squeeze %dma_start3A_111 : memref<1x64xi32, #tpu.memory_space<vmem>> -> memref<64xi32, #tpu.memory_space<vmem>>
          %dma_start3A_113 = arith.constant 0 : i32
          %dma_start3A_114 = arith.constant 0 : i32
          %dma_start3A_115 = tpu.memref_slice %arg3[%dma_start3A_113, %dma_start3A_114] : memref<10000x128xf32, #tpu.memory_space<hbm>> -> memref<10000x128xf32, #tpu.memory_space<hbm>>
          tpu.enqueue_indirect_dma source(%dma_start3A_115 : memref<10000x128xf32, #tpu.memory_space<hbm>>) target(%arg11 : memref<64x128xf32, #tpu.memory_space<vmem>>) offsets(%dma_start3A_112 : memref<64xi32, #tpu.memory_space<vmem>>) semaphore(%arg15 : memref<!tpu.dma_semaphore, #tpu.memory_space<semaphore_mem>>)
        } else {
        }
        %eq3A_90 = arith.constant 0 : i32
        %eq3A_91 = arith.cmpi eq, %arg0, %eq3A_90 : i32
        %convert_element_type3A_92 = arith.extui %eq3A_91 : i1 to i32
        %cond3A_93 = arith.constant 0 : i32
        %cond3A_94 = arith.cmpi ne, %convert_element_type3A_92, %cond3A_93 : i32
        scf.if %cond3A_94 {
          %dma_start3A = arith.constant 1 : i32
          %dma_start3A_110 = arith.constant 0 : i32
          %dma_start3A_111 = tpu.memref_slice %arg9[%dma_start3A, %dma_start3A_110] : memref<64x64xi32, #tpu.memory_space<vmem>> -> memref<1x64xi32, #tpu.memory_space<vmem>>
          %dma_start3A_112 = tpu.memref_squeeze %dma_start3A_111 : memref<1x64xi32, #tpu.memory_space<vmem>> -> memref<64xi32, #tpu.memory_space<vmem>>
          %dma_start3A_113 = arith.constant 0 : i32
          %dma_start3A_114 = arith.constant 0 : i32
          %dma_start3A_115 = tpu.memref_slice %arg2[%dma_start3A_113, %dma_start3A_114] : memref<10000x128xf32, #tpu.memory_space<hbm>> -> memref<10000x128xf32, #tpu.memory_space<hbm>>
          tpu.enqueue_indirect_dma source(%dma_start3A_115 : memref<10000x128xf32, #tpu.memory_space<hbm>>) target(%arg12 : memref<64x128xf32, #tpu.memory_space<vmem>>) offsets(%dma_start3A_112 : memref<64xi32, #tpu.memory_space<vmem>>) semaphore(%arg16 : memref<!tpu.dma_semaphore, #tpu.memory_space<semaphore_mem>>)
        } else {
        }
        %ne3A_95 = arith.constant 0 : i32
        %ne3A_96 = arith.cmpi ne, %arg0, %ne3A_95 : i32
        %convert_element_type3A_97 = arith.extui %ne3A_96 : i1 to i32
        %cond3A_98 = arith.constant 0 : i32
        %cond3A_99 = arith.cmpi ne, %convert_element_type3A_97, %cond3A_98 : i32
        scf.if %cond3A_99 {
          %dma_start3A = arith.constant 1 : i32
          %dma_start3A_110 = arith.constant 0 : i32
          %dma_start3A_111 = tpu.memref_slice %arg9[%dma_start3A, %dma_start3A_110] : memref<64x64xi32, #tpu.memory_space<vmem>> -> memref<1x64xi32, #tpu.memory_space<vmem>>
          %dma_start3A_112 = tpu.memref_squeeze %dma_start3A_111 : memref<1x64xi32, #tpu.memory_space<vmem>> -> memref<64xi32, #tpu.memory_space<vmem>>
          %dma_start3A_113 = arith.constant 0 : i32
          %dma_start3A_114 = arith.constant 0 : i32
          %dma_start3A_115 = tpu.memref_slice %arg3[%dma_start3A_113, %dma_start3A_114] : memref<10000x128xf32, #tpu.memory_space<hbm>> -> memref<10000x128xf32, #tpu.memory_space<hbm>>
          tpu.enqueue_indirect_dma source(%dma_start3A_115 : memref<10000x128xf32, #tpu.memory_space<hbm>>) target(%arg12 : memref<64x128xf32, #tpu.memory_space<vmem>>) offsets(%dma_start3A_112 : memref<64xi32, #tpu.memory_space<vmem>>) semaphore(%arg16 : memref<!tpu.dma_semaphore, #tpu.memory_space<semaphore_mem>>)
        } else {
        }
        %eq3A_100 = arith.constant 0 : i32
        %eq3A_101 = arith.cmpi eq, %arg0, %eq3A_100 : i32
        %convert_element_type3A_102 = arith.extui %eq3A_101 : i1 to i32
        %cond3A_103 = arith.constant 0 : i32
        %cond3A_104 = arith.cmpi ne, %convert_element_type3A_102, %cond3A_103 : i32
        scf.if %cond3A_104 {
          %dma_start3A = arith.constant 2 : i32
          %dma_start3A_110 = arith.constant 0 : i32
          %dma_start3A_111 = tpu.memref_slice %arg9[%dma_start3A, %dma_start3A_110] : memref<64x64xi32, #tpu.memory_space<vmem>> -> memref<1x64xi32, #tpu.memory_space<vmem>>
          %dma_start3A_112 = tpu.memref_squeeze %dma_start3A_111 : memref<1x64xi32, #tpu.memory_space<vmem>> -> memref<64xi32, #tpu.memory_space<vmem>>
          %dma_start3A_113 = arith.constant 0 : i32
          %dma_start3A_114 = arith.constant 0 : i32
          %dma_start3A_115 = tpu.memref_slice %arg2[%dma_start3A_113, %dma_start3A_114] : memref<10000x128xf32, #tpu.memory_space<hbm>> -> memref<10000x128xf32, #tpu.memory_space<hbm>>
          tpu.enqueue_indirect_dma source(%dma_start3A_115 : memref<10000x128xf32, #tpu.memory_space<hbm>>) target(%arg13 : memref<64x128xf32, #tpu.memory_space<vmem>>) offsets(%dma_start3A_112 : memref<64xi32, #tpu.memory_space<vmem>>) semaphore(%arg17 : memref<!tpu.dma_semaphore, #tpu.memory_space<semaphore_mem>>)
        } else {
        }
        %ne3A_105 = arith.constant 0 : i32
        %ne3A_106 = arith.cmpi ne, %arg0, %ne3A_105 : i32
        %convert_element_type3A_107 = arith.extui %ne3A_106 : i1 to i32
        %cond3A_108 = arith.constant 0 : i32
        %cond3A_109 = arith.cmpi ne, %convert_element_type3A_107, %cond3A_108 : i32
        scf.if %cond3A_109 {
          %dma_start3A = arith.constant 2 : i32
          %dma_start3A_110 = arith.constant 0 : i32
          %dma_start3A_111 = tpu.memref_slice %arg9[%dma_start3A, %dma_start3A_110] : memref<64x64xi32, #tpu.memory_space<vmem>> -> memref<1x64xi32, #tpu.memory_space<vmem>>
          %dma_start3A_112 = tpu.memref_squeeze %dma_start3A_111 : memref<1x64xi32, #tpu.memory_space<vmem>> -> memref<64xi32, #tpu.memory_space<vmem>>
          %dma_start3A_113 = arith.constant 0 : i32
          %dma_start3A_114 = arith.constant 0 : i32
          %dma_start3A_115 = tpu.memref_slice %arg3[%dma_start3A_113, %dma_start3A_114] : memref<10000x128xf32, #tpu.memory_space<hbm>> -> memref<10000x128xf32, #tpu.memory_space<hbm>>
          tpu.enqueue_indirect_dma source(%dma_start3A_115 : memref<10000x128xf32, #tpu.memory_space<hbm>>) target(%arg13 : memref<64x128xf32, #tpu.memory_space<vmem>>) offsets(%dma_start3A_112 : memref<64xi32, #tpu.memory_space<vmem>>) semaphore(%arg17 : memref<!tpu.dma_semaphore, #tpu.memory_space<semaphore_mem>>)
        } else {
        }
      } else {
      }
      %scan3A_70 = arith.constant 0 : i32
      %scan3A_71 = arith.constant 0 : i32
      %scan3A_72 = arith.constant 16 : i32
      %scan3A_73 = arith.addi %scan3A_71, %scan3A_72 : i32
      %scan3A_74 = arith.constant 1 : i32
      scf.for %scan3A_76 = %scan3A_71 to %scan3A_73 step %scan3A_74  : i32 {
        %mul3A_77 = arith.constant 4 : i32
        %mul3A_78 = arith.muli %mul3A_77, %scan3A_76 : i32
        %add3A = arith.constant 0 : i32
        %add3A_79 = arith.addi %mul3A_78, %add3A : i32
        %add3A_80 = arith.constant 4 : i32
        %add3A_81 = arith.addi %add3A_79, %add3A_80 : i32
        %sub3A = arith.constant 1 : i32
        %sub3A_82 = arith.subi %add3A_81, %sub3A : i32
        %lt3A = arith.constant 64 : i32
        %lt3A_83 = arith.cmpi slt, %sub3A_82, %lt3A : i32
        %convert_element_type3A_84 = arith.extui %lt3A_83 : i1 to i32
        %cond3A_85 = arith.constant 0 : i32
        %cond3A_86 = arith.cmpi ne, %convert_element_type3A_84, %cond3A_85 : i32
        scf.if %cond3A_86 {
          %add3A_143 = arith.constant 4 : i32
          %add3A_144 = arith.addi %add3A_79, %add3A_143 : i32
          %sub3A_145 = arith.constant 1 : i32
          %sub3A_146 = arith.subi %add3A_144, %sub3A_145 : i32
          %eq3A_147 = arith.constant 0 : i32
          %eq3A_148 = arith.cmpi eq, %arg0, %eq3A_147 : i32
          %convert_element_type3A_149 = arith.extui %eq3A_148 : i1 to i32
          %cond3A_150 = arith.constant 0 : i32
          %cond3A_151 = arith.cmpi ne, %convert_element_type3A_149, %cond3A_150 : i32
          scf.if %cond3A_151 {
            %dma_start3A = arith.constant 0 : i32
            %dma_start3A_157 = tpu.memref_slice %arg9[%sub3A_146, %dma_start3A] : memref<64x64xi32, #tpu.memory_space<vmem>> -> memref<1x64xi32, #tpu.memory_space<vmem>>
            %dma_start3A_158 = tpu.memref_squeeze %dma_start3A_157 : memref<1x64xi32, #tpu.memory_space<vmem>> -> memref<64xi32, #tpu.memory_space<vmem>>
            %dma_start3A_159 = arith.constant 0 : i32
            %dma_start3A_160 = arith.constant 0 : i32
            %dma_start3A_161 = tpu.memref_slice %arg2[%dma_start3A_159, %dma_start3A_160] : memref<10000x128xf32, #tpu.memory_space<hbm>> -> memref<10000x128xf32, #tpu.memory_space<hbm>>
            tpu.enqueue_indirect_dma source(%dma_start3A_161 : memref<10000x128xf32, #tpu.memory_space<hbm>>) target(%arg14 : memref<64x128xf32, #tpu.memory_space<vmem>>) offsets(%dma_start3A_158 : memref<64xi32, #tpu.memory_space<vmem>>) semaphore(%arg18 : memref<!tpu.dma_semaphore, #tpu.memory_space<semaphore_mem>>)
          } else {
          }
          %ne3A_152 = arith.constant 0 : i32
          %ne3A_153 = arith.cmpi ne, %arg0, %ne3A_152 : i32
          %convert_element_type3A_154 = arith.extui %ne3A_153 : i1 to i32
          %cond3A_155 = arith.constant 0 : i32
          %cond3A_156 = arith.cmpi ne, %convert_element_type3A_154, %cond3A_155 : i32
          scf.if %cond3A_156 {
            %dma_start3A = arith.constant 0 : i32
            %dma_start3A_157 = tpu.memref_slice %arg9[%sub3A_146, %dma_start3A] : memref<64x64xi32, #tpu.memory_space<vmem>> -> memref<1x64xi32, #tpu.memory_space<vmem>>
            %dma_start3A_158 = tpu.memref_squeeze %dma_start3A_157 : memref<1x64xi32, #tpu.memory_space<vmem>> -> memref<64xi32, #tpu.memory_space<vmem>>
            %dma_start3A_159 = arith.constant 0 : i32
            %dma_start3A_160 = arith.constant 0 : i32
            %dma_start3A_161 = tpu.memref_slice %arg3[%dma_start3A_159, %dma_start3A_160] : memref<10000x128xf32, #tpu.memory_space<hbm>> -> memref<10000x128xf32, #tpu.memory_space<hbm>>
            tpu.enqueue_indirect_dma source(%dma_start3A_161 : memref<10000x128xf32, #tpu.memory_space<hbm>>) target(%arg14 : memref<64x128xf32, #tpu.memory_space<vmem>>) offsets(%dma_start3A_158 : memref<64xi32, #tpu.memory_space<vmem>>) semaphore(%arg18 : memref<!tpu.dma_semaphore, #tpu.memory_space<semaphore_mem>>)
          } else {
          }
        } else {
        }
        %dma_wait3A = arith.constant 0 : i32
        %dma_wait3A_87 = tpu.memref_slice %arg9[%add3A_79, %dma_wait3A] : memref<64x64xi32, #tpu.memory_space<vmem>> -> memref<1x64xi32, #tpu.memory_space<vmem>>
        %dma_wait3A_88 = tpu.memref_squeeze %dma_wait3A_87 : memref<1x64xi32, #tpu.memory_space<vmem>> -> memref<64xi32, #tpu.memory_space<vmem>>
        %dma_wait3A_89 = arith.constant 0 : i32
        %dma_wait3A_90 = arith.constant 0 : i32
        %dma_wait3A_91 = tpu.memref_slice %arg2[%dma_wait3A_89, %dma_wait3A_90] : memref<10000x128xf32, #tpu.memory_space<hbm>> -> memref<10000x128xf32, #tpu.memory_space<hbm>>
        tpu.wait_indirect_dma semaphore(%arg15 : memref<!tpu.dma_semaphore, #tpu.memory_space<semaphore_mem>>) src(%dma_wait3A_91 : memref<10000x128xf32, #tpu.memory_space<hbm>>) dst(%arg11 : memref<64x128xf32, #tpu.memory_space<vmem>>)
        "tpu.region"() ({
          %run_scoped3A = tpu.sem_alloc : memref<!tpu.dma_semaphore, #tpu.memory_space<semaphore_mem>>
          %dma_start3A = arith.constant 0 : i32
          %dma_start3A_143 = tpu.memref_slice %arg10[%add3A_79, %dma_start3A] : memref<64x64xi32, #tpu.memory_space<vmem>> -> memref<1x64xi32, #tpu.memory_space<vmem>>
          %dma_start3A_144 = tpu.memref_squeeze %dma_start3A_143 : memref<1x64xi32, #tpu.memory_space<vmem>> -> memref<64xi32, #tpu.memory_space<vmem>>
          %dma_start3A_145 = arith.constant 0 : i32
          %dma_start3A_146 = arith.constant 0 : i32
          %dma_start3A_147 = tpu.memref_slice %arg19[%dma_start3A_145, %dma_start3A_146] : memref<10112x128xf32, #tpu.memory_space<vmem_shared>> -> memref<10112x128xf32, #tpu.memory_space<vmem_shared>>
          tpu.enqueue_indirect_dma source(%arg11 : memref<64x128xf32, #tpu.memory_space<vmem>>) target(%dma_start3A_147 : memref<10112x128xf32, #tpu.memory_space<vmem_shared>>) offsets(%dma_start3A_144 : memref<64xi32, #tpu.memory_space<vmem>>) semaphore(%run_scoped3A : memref<!tpu.dma_semaphore, #tpu.memory_space<semaphore_mem>>) {add = true}
          %dma_wait3A_148 = arith.constant 0 : i32
          %dma_wait3A_149 = tpu.memref_slice %arg10[%add3A_79, %dma_wait3A_148] : memref<64x64xi32, #tpu.memory_space<vmem>> -> memref<1x64xi32, #tpu.memory_space<vmem>>
          %dma_wait3A_150 = tpu.memref_squeeze %dma_wait3A_149 : memref<1x64xi32, #tpu.memory_space<vmem>> -> memref<64xi32, #tpu.memory_space<vmem>>
          %dma_wait3A_151 = arith.constant 0 : i32
          %dma_wait3A_152 = arith.constant 0 : i32
          %dma_wait3A_153 = tpu.memref_slice %arg19[%dma_wait3A_151, %dma_wait3A_152] : memref<10112x128xf32, #tpu.memory_space<vmem_shared>> -> memref<10112x128xf32, #tpu.memory_space<vmem_shared>>
          tpu.wait_indirect_dma semaphore(%run_scoped3A : memref<!tpu.dma_semaphore, #tpu.memory_space<semaphore_mem>>) src(%arg11 : memref<64x128xf32, #tpu.memory_space<vmem>>) dst(%dma_wait3A_153 : memref<10112x128xf32, #tpu.memory_space<vmem_shared>>)
          tpu.yield
        }) : () -> ()
        %add3A_92 = arith.constant 1 : i32
        %add3A_93 = arith.addi %mul3A_78, %add3A_92 : i32
        %add3A_94 = arith.constant 4 : i32
        %add3A_95 = arith.addi %add3A_93, %add3A_94 : i32
        %sub3A_96 = arith.constant 1 : i32
        %sub3A_97 = arith.subi %add3A_95, %sub3A_96 : i32
        %lt3A_98 = arith.constant 64 : i32
        %lt3A_99 = arith.cmpi slt, %sub3A_97, %lt3A_98 : i32
        %convert_element_type3A_100 = arith.extui %lt3A_99 : i1 to i32
        %cond3A_101 = arith.constant 0 : i32
        %cond3A_102 = arith.cmpi ne, %convert_element_type3A_100, %cond3A_101 : i32
        scf.if %cond3A_102 {
          %add3A_143 = arith.constant 4 : i32
          %add3A_144 = arith.addi %add3A_93, %add3A_143 : i32
          %sub3A_145 = arith.constant 1 : i32
          %sub3A_146 = arith.subi %add3A_144, %sub3A_145 : i32
          %eq3A_147 = arith.constant 0 : i32
          %eq3A_148 = arith.cmpi eq, %arg0, %eq3A_147 : i32
          %convert_element_type3A_149 = arith.extui %eq3A_148 : i1 to i32
          %cond3A_150 = arith.constant 0 : i32
          %cond3A_151 = arith.cmpi ne, %convert_element_type3A_149, %cond3A_150 : i32
          scf.if %cond3A_151 {
            %dma_start3A = arith.constant 0 : i32
            %dma_start3A_157 = tpu.memref_slice %arg9[%sub3A_146, %dma_start3A] : memref<64x64xi32, #tpu.memory_space<vmem>> -> memref<1x64xi32, #tpu.memory_space<vmem>>
            %dma_start3A_158 = tpu.memref_squeeze %dma_start3A_157 : memref<1x64xi32, #tpu.memory_space<vmem>> -> memref<64xi32, #tpu.memory_space<vmem>>
            %dma_start3A_159 = arith.constant 0 : i32
            %dma_start3A_160 = arith.constant 0 : i32
            %dma_start3A_161 = tpu.memref_slice %arg2[%dma_start3A_159, %dma_start3A_160] : memref<10000x128xf32, #tpu.memory_space<hbm>> -> memref<10000x128xf32, #tpu.memory_space<hbm>>
            tpu.enqueue_indirect_dma source(%dma_start3A_161 : memref<10000x128xf32, #tpu.memory_space<hbm>>) target(%arg11 : memref<64x128xf32, #tpu.memory_space<vmem>>) offsets(%dma_start3A_158 : memref<64xi32, #tpu.memory_space<vmem>>) semaphore(%arg15 : memref<!tpu.dma_semaphore, #tpu.memory_space<semaphore_mem>>)
          } else {
          }
          %ne3A_152 = arith.constant 0 : i32
          %ne3A_153 = arith.cmpi ne, %arg0, %ne3A_152 : i32
          %convert_element_type3A_154 = arith.extui %ne3A_153 : i1 to i32
          %cond3A_155 = arith.constant 0 : i32
          %cond3A_156 = arith.cmpi ne, %convert_element_type3A_154, %cond3A_155 : i32
          scf.if %cond3A_156 {
            %dma_start3A = arith.constant 0 : i32
            %dma_start3A_157 = tpu.memref_slice %arg9[%sub3A_146, %dma_start3A] : memref<64x64xi32, #tpu.memory_space<vmem>> -> memref<1x64xi32, #tpu.memory_space<vmem>>
            %dma_start3A_158 = tpu.memref_squeeze %dma_start3A_157 : memref<1x64xi32, #tpu.memory_space<vmem>> -> memref<64xi32, #tpu.memory_space<vmem>>
            %dma_start3A_159 = arith.constant 0 : i32
            %dma_start3A_160 = arith.constant 0 : i32
            %dma_start3A_161 = tpu.memref_slice %arg3[%dma_start3A_159, %dma_start3A_160] : memref<10000x128xf32, #tpu.memory_space<hbm>> -> memref<10000x128xf32, #tpu.memory_space<hbm>>
            tpu.enqueue_indirect_dma source(%dma_start3A_161 : memref<10000x128xf32, #tpu.memory_space<hbm>>) target(%arg11 : memref<64x128xf32, #tpu.memory_space<vmem>>) offsets(%dma_start3A_158 : memref<64xi32, #tpu.memory_space<vmem>>) semaphore(%arg15 : memref<!tpu.dma_semaphore, #tpu.memory_space<semaphore_mem>>)
          } else {
          }
        } else {
        }
        %dma_wait3A_103 = arith.constant 0 : i32
        %dma_wait3A_104 = tpu.memref_slice %arg9[%add3A_93, %dma_wait3A_103] : memref<64x64xi32, #tpu.memory_space<vmem>> -> memref<1x64xi32, #tpu.memory_space<vmem>>
        %dma_wait3A_105 = tpu.memref_squeeze %dma_wait3A_104 : memref<1x64xi32, #tpu.memory_space<vmem>> -> memref<64xi32, #tpu.memory_space<vmem>>
        %dma_wait3A_106 = arith.constant 0 : i32
        %dma_wait3A_107 = arith.constant 0 : i32
        %dma_wait3A_108 = tpu.memref_slice %arg2[%dma_wait3A_106, %dma_wait3A_107] : memref<10000x128xf32, #tpu.memory_space<hbm>> -> memref<10000x128xf32, #tpu.memory_space<hbm>>
        tpu.wait_indirect_dma semaphore(%arg16 : memref<!tpu.dma_semaphore, #tpu.memory_space<semaphore_mem>>) src(%dma_wait3A_108 : memref<10000x128xf32, #tpu.memory_space<hbm>>) dst(%arg12 : memref<64x128xf32, #tpu.memory_space<vmem>>)
        "tpu.region"() ({
          %run_scoped3A = tpu.sem_alloc : memref<!tpu.dma_semaphore, #tpu.memory_space<semaphore_mem>>
          %dma_start3A = arith.constant 0 : i32
          %dma_start3A_143 = tpu.memref_slice %arg10[%add3A_93, %dma_start3A] : memref<64x64xi32, #tpu.memory_space<vmem>> -> memref<1x64xi32, #tpu.memory_space<vmem>>
          %dma_start3A_144 = tpu.memref_squeeze %dma_start3A_143 : memref<1x64xi32, #tpu.memory_space<vmem>> -> memref<64xi32, #tpu.memory_space<vmem>>
          %dma_start3A_145 = arith.constant 0 : i32
          %dma_start3A_146 = arith.constant 0 : i32
          %dma_start3A_147 = tpu.memref_slice %arg19[%dma_start3A_145, %dma_start3A_146] : memref<10112x128xf32, #tpu.memory_space<vmem_shared>> -> memref<10112x128xf32, #tpu.memory_space<vmem_shared>>
          tpu.enqueue_indirect_dma source(%arg12 : memref<64x128xf32, #tpu.memory_space<vmem>>) target(%dma_start3A_147 : memref<10112x128xf32, #tpu.memory_space<vmem_shared>>) offsets(%dma_start3A_144 : memref<64xi32, #tpu.memory_space<vmem>>) semaphore(%run_scoped3A : memref<!tpu.dma_semaphore, #tpu.memory_space<semaphore_mem>>) {add = true}
          %dma_wait3A_148 = arith.constant 0 : i32
          %dma_wait3A_149 = tpu.memref_slice %arg10[%add3A_93, %dma_wait3A_148] : memref<64x64xi32, #tpu.memory_space<vmem>> -> memref<1x64xi32, #tpu.memory_space<vmem>>
          %dma_wait3A_150 = tpu.memref_squeeze %dma_wait3A_149 : memref<1x64xi32, #tpu.memory_space<vmem>> -> memref<64xi32, #tpu.memory_space<vmem>>
          %dma_wait3A_151 = arith.constant 0 : i32
          %dma_wait3A_152 = arith.constant 0 : i32
          %dma_wait3A_153 = tpu.memref_slice %arg19[%dma_wait3A_151, %dma_wait3A_152] : memref<10112x128xf32, #tpu.memory_space<vmem_shared>> -> memref<10112x128xf32, #tpu.memory_space<vmem_shared>>
          tpu.wait_indirect_dma semaphore(%run_scoped3A : memref<!tpu.dma_semaphore, #tpu.memory_space<semaphore_mem>>) src(%arg12 : memref<64x128xf32, #tpu.memory_space<vmem>>) dst(%dma_wait3A_153 : memref<10112x128xf32, #tpu.memory_space<vmem_shared>>)
          tpu.yield
        }) : () -> ()
        %add3A_109 = arith.constant 2 : i32
        %add3A_110 = arith.addi %mul3A_78, %add3A_109 : i32
        %add3A_111 = arith.constant 4 : i32
        %add3A_112 = arith.addi %add3A_110, %add3A_111 : i32
        %sub3A_113 = arith.constant 1 : i32
        %sub3A_114 = arith.subi %add3A_112, %sub3A_113 : i32
        %lt3A_115 = arith.constant 64 : i32
        %lt3A_116 = arith.cmpi slt, %sub3A_114, %lt3A_115 : i32
        %convert_element_type3A_117 = arith.extui %lt3A_116 : i1 to i32
        %cond3A_118 = arith.constant 0 : i32
        %cond3A_119 = arith.cmpi ne, %convert_element_type3A_117, %cond3A_118 : i32
        scf.if %cond3A_119 {
          %add3A_143 = arith.constant 4 : i32
          %add3A_144 = arith.addi %add3A_110, %add3A_143 : i32
          %sub3A_145 = arith.constant 1 : i32
          %sub3A_146 = arith.subi %add3A_144, %sub3A_145 : i32
          %eq3A_147 = arith.constant 0 : i32
          %eq3A_148 = arith.cmpi eq, %arg0, %eq3A_147 : i32
          %convert_element_type3A_149 = arith.extui %eq3A_148 : i1 to i32
          %cond3A_150 = arith.constant 0 : i32
          %cond3A_151 = arith.cmpi ne, %convert_element_type3A_149, %cond3A_150 : i32
          scf.if %cond3A_151 {
            %dma_start3A = arith.constant 0 : i32
            %dma_start3A_157 = tpu.memref_slice %arg9[%sub3A_146, %dma_start3A] : memref<64x64xi32, #tpu.memory_space<vmem>> -> memref<1x64xi32, #tpu.memory_space<vmem>>
            %dma_start3A_158 = tpu.memref_squeeze %dma_start3A_157 : memref<1x64xi32, #tpu.memory_space<vmem>> -> memref<64xi32, #tpu.memory_space<vmem>>
            %dma_start3A_159 = arith.constant 0 : i32
            %dma_start3A_160 = arith.constant 0 : i32
            %dma_start3A_161 = tpu.memref_slice %arg2[%dma_start3A_159, %dma_start3A_160] : memref<10000x128xf32, #tpu.memory_space<hbm>> -> memref<10000x128xf32, #tpu.memory_space<hbm>>
            tpu.enqueue_indirect_dma source(%dma_start3A_161 : memref<10000x128xf32, #tpu.memory_space<hbm>>) target(%arg12 : memref<64x128xf32, #tpu.memory_space<vmem>>) offsets(%dma_start3A_158 : memref<64xi32, #tpu.memory_space<vmem>>) semaphore(%arg16 : memref<!tpu.dma_semaphore, #tpu.memory_space<semaphore_mem>>)
          } else {
          }
          %ne3A_152 = arith.constant 0 : i32
          %ne3A_153 = arith.cmpi ne, %arg0, %ne3A_152 : i32
          %convert_element_type3A_154 = arith.extui %ne3A_153 : i1 to i32
          %cond3A_155 = arith.constant 0 : i32
          %cond3A_156 = arith.cmpi ne, %convert_element_type3A_154, %cond3A_155 : i32
          scf.if %cond3A_156 {
            %dma_start3A = arith.constant 0 : i32
            %dma_start3A_157 = tpu.memref_slice %arg9[%sub3A_146, %dma_start3A] : memref<64x64xi32, #tpu.memory_space<vmem>> -> memref<1x64xi32, #tpu.memory_space<vmem>>
            %dma_start3A_158 = tpu.memref_squeeze %dma_start3A_157 : memref<1x64xi32, #tpu.memory_space<vmem>> -> memref<64xi32, #tpu.memory_space<vmem>>
            %dma_start3A_159 = arith.constant 0 : i32
            %dma_start3A_160 = arith.constant 0 : i32
            %dma_start3A_161 = tpu.memref_slice %arg3[%dma_start3A_159, %dma_start3A_160] : memref<10000x128xf32, #tpu.memory_space<hbm>> -> memref<10000x128xf32, #tpu.memory_space<hbm>>
            tpu.enqueue_indirect_dma source(%dma_start3A_161 : memref<10000x128xf32, #tpu.memory_space<hbm>>) target(%arg12 : memref<64x128xf32, #tpu.memory_space<vmem>>) offsets(%dma_start3A_158 : memref<64xi32, #tpu.memory_space<vmem>>) semaphore(%arg16 : memref<!tpu.dma_semaphore, #tpu.memory_space<semaphore_mem>>)
          } else {
          }
        } else {
        }
        %dma_wait3A_120 = arith.constant 0 : i32
        %dma_wait3A_121 = tpu.memref_slice %arg9[%add3A_110, %dma_wait3A_120] : memref<64x64xi32, #tpu.memory_space<vmem>> -> memref<1x64xi32, #tpu.memory_space<vmem>>
        %dma_wait3A_122 = tpu.memref_squeeze %dma_wait3A_121 : memref<1x64xi32, #tpu.memory_space<vmem>> -> memref<64xi32, #tpu.memory_space<vmem>>
        %dma_wait3A_123 = arith.constant 0 : i32
        %dma_wait3A_124 = arith.constant 0 : i32
        %dma_wait3A_125 = tpu.memref_slice %arg2[%dma_wait3A_123, %dma_wait3A_124] : memref<10000x128xf32, #tpu.memory_space<hbm>> -> memref<10000x128xf32, #tpu.memory_space<hbm>>
        tpu.wait_indirect_dma semaphore(%arg17 : memref<!tpu.dma_semaphore, #tpu.memory_space<semaphore_mem>>) src(%dma_wait3A_125 : memref<10000x128xf32, #tpu.memory_space<hbm>>) dst(%arg13 : memref<64x128xf32, #tpu.memory_space<vmem>>)
        "tpu.region"() ({
          %run_scoped3A = tpu.sem_alloc : memref<!tpu.dma_semaphore, #tpu.memory_space<semaphore_mem>>
          %dma_start3A = arith.constant 0 : i32
          %dma_start3A_143 = tpu.memref_slice %arg10[%add3A_110, %dma_start3A] : memref<64x64xi32, #tpu.memory_space<vmem>> -> memref<1x64xi32, #tpu.memory_space<vmem>>
          %dma_start3A_144 = tpu.memref_squeeze %dma_start3A_143 : memref<1x64xi32, #tpu.memory_space<vmem>> -> memref<64xi32, #tpu.memory_space<vmem>>
          %dma_start3A_145 = arith.constant 0 : i32
          %dma_start3A_146 = arith.constant 0 : i32
          %dma_start3A_147 = tpu.memref_slice %arg19[%dma_start3A_145, %dma_start3A_146] : memref<10112x128xf32, #tpu.memory_space<vmem_shared>> -> memref<10112x128xf32, #tpu.memory_space<vmem_shared>>
          tpu.enqueue_indirect_dma source(%arg13 : memref<64x128xf32, #tpu.memory_space<vmem>>) target(%dma_start3A_147 : memref<10112x128xf32, #tpu.memory_space<vmem_shared>>) offsets(%dma_start3A_144 : memref<64xi32, #tpu.memory_space<vmem>>) semaphore(%run_scoped3A : memref<!tpu.dma_semaphore, #tpu.memory_space<semaphore_mem>>) {add = true}
          %dma_wait3A_148 = arith.constant 0 : i32
          %dma_wait3A_149 = tpu.memref_slice %arg10[%add3A_110, %dma_wait3A_148] : memref<64x64xi32, #tpu.memory_space<vmem>> -> memref<1x64xi32, #tpu.memory_space<vmem>>
          %dma_wait3A_150 = tpu.memref_squeeze %dma_wait3A_149 : memref<1x64xi32, #tpu.memory_space<vmem>> -> memref<64xi32, #tpu.memory_space<vmem>>
          %dma_wait3A_151 = arith.constant 0 : i32
          %dma_wait3A_152 = arith.constant 0 : i32
          %dma_wait3A_153 = tpu.memref_slice %arg19[%dma_wait3A_151, %dma_wait3A_152] : memref<10112x128xf32, #tpu.memory_space<vmem_shared>> -> memref<10112x128xf32, #tpu.memory_space<vmem_shared>>
          tpu.wait_indirect_dma semaphore(%run_scoped3A : memref<!tpu.dma_semaphore, #tpu.memory_space<semaphore_mem>>) src(%arg13 : memref<64x128xf32, #tpu.memory_space<vmem>>) dst(%dma_wait3A_153 : memref<10112x128xf32, #tpu.memory_space<vmem_shared>>)
          tpu.yield
        }) : () -> ()
        %add3A_126 = arith.constant 3 : i32
        %add3A_127 = arith.addi %mul3A_78, %add3A_126 : i32
        %add3A_128 = arith.constant 4 : i32
        %add3A_129 = arith.addi %add3A_127, %add3A_128 : i32
        %sub3A_130 = arith.constant 1 : i32
        %sub3A_131 = arith.subi %add3A_129, %sub3A_130 : i32
        %lt3A_132 = arith.constant 64 : i32
        %lt3A_133 = arith.cmpi slt, %sub3A_131, %lt3A_132 : i32
        %convert_element_type3A_134 = arith.extui %lt3A_133 : i1 to i32
        %cond3A_135 = arith.constant 0 : i32
        %cond3A_136 = arith.cmpi ne, %convert_element_type3A_134, %cond3A_135 : i32
        scf.if %cond3A_136 {
          %add3A_143 = arith.constant 4 : i32
          %add3A_144 = arith.addi %add3A_127, %add3A_143 : i32
          %sub3A_145 = arith.constant 1 : i32
          %sub3A_146 = arith.subi %add3A_144, %sub3A_145 : i32
          %eq3A_147 = arith.constant 0 : i32
          %eq3A_148 = arith.cmpi eq, %arg0, %eq3A_147 : i32
          %convert_element_type3A_149 = arith.extui %eq3A_148 : i1 to i32
          %cond3A_150 = arith.constant 0 : i32
          %cond3A_151 = arith.cmpi ne, %convert_element_type3A_149, %cond3A_150 : i32
          scf.if %cond3A_151 {
            %dma_start3A = arith.constant 0 : i32
            %dma_start3A_157 = tpu.memref_slice %arg9[%sub3A_146, %dma_start3A] : memref<64x64xi32, #tpu.memory_space<vmem>> -> memref<1x64xi32, #tpu.memory_space<vmem>>
            %dma_start3A_158 = tpu.memref_squeeze %dma_start3A_157 : memref<1x64xi32, #tpu.memory_space<vmem>> -> memref<64xi32, #tpu.memory_space<vmem>>
            %dma_start3A_159 = arith.constant 0 : i32
            %dma_start3A_160 = arith.constant 0 : i32
            %dma_start3A_161 = tpu.memref_slice %arg2[%dma_start3A_159, %dma_start3A_160] : memref<10000x128xf32, #tpu.memory_space<hbm>> -> memref<10000x128xf32, #tpu.memory_space<hbm>>
            tpu.enqueue_indirect_dma source(%dma_start3A_161 : memref<10000x128xf32, #tpu.memory_space<hbm>>) target(%arg13 : memref<64x128xf32, #tpu.memory_space<vmem>>) offsets(%dma_start3A_158 : memref<64xi32, #tpu.memory_space<vmem>>) semaphore(%arg17 : memref<!tpu.dma_semaphore, #tpu.memory_space<semaphore_mem>>)
          } else {
          }
          %ne3A_152 = arith.constant 0 : i32
          %ne3A_153 = arith.cmpi ne, %arg0, %ne3A_152 : i32
          %convert_element_type3A_154 = arith.extui %ne3A_153 : i1 to i32
          %cond3A_155 = arith.constant 0 : i32
          %cond3A_156 = arith.cmpi ne, %convert_element_type3A_154, %cond3A_155 : i32
          scf.if %cond3A_156 {
            %dma_start3A = arith.constant 0 : i32
            %dma_start3A_157 = tpu.memref_slice %arg9[%sub3A_146, %dma_start3A] : memref<64x64xi32, #tpu.memory_space<vmem>> -> memref<1x64xi32, #tpu.memory_space<vmem>>
            %dma_start3A_158 = tpu.memref_squeeze %dma_start3A_157 : memref<1x64xi32, #tpu.memory_space<vmem>> -> memref<64xi32, #tpu.memory_space<vmem>>
            %dma_start3A_159 = arith.constant 0 : i32
            %dma_start3A_160 = arith.constant 0 : i32
            %dma_start3A_161 = tpu.memref_slice %arg3[%dma_start3A_159, %dma_start3A_160] : memref<10000x128xf32, #tpu.memory_space<hbm>> -> memref<10000x128xf32, #tpu.memory_space<hbm>>
            tpu.enqueue_indirect_dma source(%dma_start3A_161 : memref<10000x128xf32, #tpu.memory_space<hbm>>) target(%arg13 : memref<64x128xf32, #tpu.memory_space<vmem>>) offsets(%dma_start3A_158 : memref<64xi32, #tpu.memory_space<vmem>>) semaphore(%arg17 : memref<!tpu.dma_semaphore, #tpu.memory_space<semaphore_mem>>)
          } else {
          }
        } else {
        }
        %dma_wait3A_137 = arith.constant 0 : i32
        %dma_wait3A_138 = tpu.memref_slice %arg9[%add3A_127, %dma_wait3A_137] : memref<64x64xi32, #tpu.memory_space<vmem>> -> memref<1x64xi32, #tpu.memory_space<vmem>>
        %dma_wait3A_139 = tpu.memref_squeeze %dma_wait3A_138 : memref<1x64xi32, #tpu.memory_space<vmem>> -> memref<64xi32, #tpu.memory_space<vmem>>
        %dma_wait3A_140 = arith.constant 0 : i32
        %dma_wait3A_141 = arith.constant 0 : i32
        %dma_wait3A_142 = tpu.memref_slice %arg2[%dma_wait3A_140, %dma_wait3A_141] : memref<10000x128xf32, #tpu.memory_space<hbm>> -> memref<10000x128xf32, #tpu.memory_space<hbm>>
        tpu.wait_indirect_dma semaphore(%arg18 : memref<!tpu.dma_semaphore, #tpu.memory_space<semaphore_mem>>) src(%dma_wait3A_142 : memref<10000x128xf32, #tpu.memory_space<hbm>>) dst(%arg14 : memref<64x128xf32, #tpu.memory_space<vmem>>)
        "tpu.region"() ({
          %run_scoped3A = tpu.sem_alloc : memref<!tpu.dma_semaphore, #tpu.memory_space<semaphore_mem>>
          %dma_start3A = arith.constant 0 : i32
          %dma_start3A_143 = tpu.memref_slice %arg10[%add3A_127, %dma_start3A] : memref<64x64xi32, #tpu.memory_space<vmem>> -> memref<1x64xi32, #tpu.memory_space<vmem>>
          %dma_start3A_144 = tpu.memref_squeeze %dma_start3A_143 : memref<1x64xi32, #tpu.memory_space<vmem>> -> memref<64xi32, #tpu.memory_space<vmem>>
          %dma_start3A_145 = arith.constant 0 : i32
          %dma_start3A_146 = arith.constant 0 : i32
          %dma_start3A_147 = tpu.memref_slice %arg19[%dma_start3A_145, %dma_start3A_146] : memref<10112x128xf32, #tpu.memory_space<vmem_shared>> -> memref<10112x128xf32, #tpu.memory_space<vmem_shared>>
          tpu.enqueue_indirect_dma source(%arg14 : memref<64x128xf32, #tpu.memory_space<vmem>>) target(%dma_start3A_147 : memref<10112x128xf32, #tpu.memory_space<vmem_shared>>) offsets(%dma_start3A_144 : memref<64xi32, #tpu.memory_space<vmem>>) semaphore(%run_scoped3A : memref<!tpu.dma_semaphore, #tpu.memory_space<semaphore_mem>>) {add = true}
          %dma_wait3A_148 = arith.constant 0 : i32
          %dma_wait3A_149 = tpu.memref_slice %arg10[%add3A_127, %dma_wait3A_148] : memref<64x64xi32, #tpu.memory_space<vmem>> -> memref<1x64xi32, #tpu.memory_space<vmem>>
          %dma_wait3A_150 = tpu.memref_squeeze %dma_wait3A_149 : memref<1x64xi32, #tpu.memory_space<vmem>> -> memref<64xi32, #tpu.memory_space<vmem>>
          %dma_wait3A_151 = arith.constant 0 : i32
          %dma_wait3A_152 = arith.constant 0 : i32
          %dma_wait3A_153 = tpu.memref_slice %arg19[%dma_wait3A_151, %dma_wait3A_152] : memref<10112x128xf32, #tpu.memory_space<vmem_shared>> -> memref<10112x128xf32, #tpu.memory_space<vmem_shared>>
          tpu.wait_indirect_dma semaphore(%run_scoped3A : memref<!tpu.dma_semaphore, #tpu.memory_space<semaphore_mem>>) src(%arg14 : memref<64x128xf32, #tpu.memory_space<vmem>>) dst(%dma_wait3A_153 : memref<10112x128xf32, #tpu.memory_space<vmem_shared>>)
          tpu.yield
        }) : () -> ()
      }
      %scan3A_75 = arith.constant 16 : i32
    }
    %scan3A_33 = arith.constant 5 : i32
    %barrier3A_34 = arith.constant 0 : index
    tpu.barrier barrier_id(%barrier3A_34)
    %mul3A_35 = arith.constant 632 : i32
    %mul3A_36 = arith.muli %arg1, %mul3A_35 : i32
    %eq3A_37 = arith.constant 15 : i32
    %eq3A_38 = arith.cmpi eq, %arg1, %eq3A_37 : i32
    %eq3A_39 = arith.constant 0 : i32
    %eq3A_40 = arith.cmpi eq, %arg0, %eq3A_39 : i32
    %not3A = arith.constant true
    %not3A_41 = arith.xori %eq3A_38, %not3A : i1
    %and3A = arith.andi %eq3A_40, %not3A_41 : i1
    %convert_element_type3A_42 = arith.extui %and3A : i1 to i32
    %cond3A_43 = arith.constant 0 : i32
    %cond3A_44 = arith.cmpi ne, %convert_element_type3A_42, %cond3A_43 : i32
    scf.if %cond3A_44 {
      "tpu.region"() ({
        %run_scoped3A = tpu.sem_alloc : memref<!tpu.dma_semaphore, #tpu.memory_space<semaphore_mem>>
        %dma_start3A = arith.constant 0 : i32
        %dma_start3A_65 = tpu.memref_slice %arg7[%mul3A_36, %dma_start3A] : memref<10000x128xf32, #tpu.memory_space<hbm>> -> memref<632x128xf32, #tpu.memory_space<hbm>>
        %dma_start3A_66 = arith.constant 0 : i32
        %dma_start3A_67 = tpu.memref_slice %arg19[%mul3A_36, %dma_start3A_66] : memref<10112x128xf32, #tpu.memory_space<vmem_shared>> -> memref<632x128xf32, #tpu.memory_space<vmem_shared>>
        tpu.enqueue_dma source(%dma_start3A_67 : memref<632x128xf32, #tpu.memory_space<vmem_shared>>) target(%dma_start3A_65 : memref<632x128xf32, #tpu.memory_space<hbm>>) target_semaphore(%run_scoped3A : memref<!tpu.dma_semaphore, #tpu.memory_space<semaphore_mem>>)
        %dma_wait3A = arith.constant 0 : i32
        %dma_wait3A_68 = tpu.memref_slice %arg7[%mul3A_36, %dma_wait3A] : memref<10000x128xf32, #tpu.memory_space<hbm>> -> memref<632x128xf32, #tpu.memory_space<hbm>>
        %dma_wait3A_69 = arith.constant 0 : i32
        %dma_wait3A_70 = tpu.memref_slice %arg19[%mul3A_36, %dma_wait3A_69] : memref<10112x128xf32, #tpu.memory_space<vmem_shared>> -> memref<632x128xf32, #tpu.memory_space<vmem_shared>>
        tpu.wait_dma2 semaphore(%run_scoped3A : memref<!tpu.dma_semaphore, #tpu.memory_space<semaphore_mem>>) src(%dma_wait3A_70 : memref<632x128xf32, #tpu.memory_space<vmem_shared>>) dst(%dma_wait3A_68 : memref<632x128xf32, #tpu.memory_space<hbm>>)
        tpu.yield
      }) : () -> ()
    } else {
    }
    %eq3A_45 = arith.constant 0 : i32
    %eq3A_46 = arith.cmpi eq, %arg0, %eq3A_45 : i32
    %and3A_47 = arith.andi %eq3A_46, %eq3A_38 : i1
    %convert_element_type3A_48 = arith.extui %and3A_47 : i1 to i32
    %cond3A_49 = arith.constant 0 : i32
    %cond3A_50 = arith.cmpi ne, %convert_element_type3A_48, %cond3A_49 : i32
    scf.if %cond3A_50 {
      "tpu.region"() ({
        %run_scoped3A = tpu.sem_alloc : memref<!tpu.dma_semaphore, #tpu.memory_space<semaphore_mem>>
        %dma_start3A = arith.constant 9480 : i32
        %dma_start3A_65 = arith.constant 0 : i32
        %dma_start3A_66 = tpu.memref_slice %arg7[%dma_start3A, %dma_start3A_65] : memref<10000x128xf32, #tpu.memory_space<hbm>> -> memref<520x128xf32, #tpu.memory_space<hbm>>
        %dma_start3A_67 = arith.constant 9480 : i32
        %dma_start3A_68 = arith.constant 0 : i32
        %dma_start3A_69 = tpu.memref_slice %arg19[%dma_start3A_67, %dma_start3A_68] : memref<10112x128xf32, #tpu.memory_space<vmem_shared>> -> memref<520x128xf32, #tpu.memory_space<vmem_shared>>
        tpu.enqueue_dma source(%dma_start3A_69 : memref<520x128xf32, #tpu.memory_space<vmem_shared>>) target(%dma_start3A_66 : memref<520x128xf32, #tpu.memory_space<hbm>>) target_semaphore(%run_scoped3A : memref<!tpu.dma_semaphore, #tpu.memory_space<semaphore_mem>>)
        %dma_wait3A = arith.constant 9480 : i32
        %dma_wait3A_70 = arith.constant 0 : i32
        %dma_wait3A_71 = tpu.memref_slice %arg7[%dma_wait3A, %dma_wait3A_70] : memref<10000x128xf32, #tpu.memory_space<hbm>> -> memref<520x128xf32, #tpu.memory_space<hbm>>
        %dma_wait3A_72 = arith.constant 9480 : i32
        %dma_wait3A_73 = arith.constant 0 : i32
        %dma_wait3A_74 = tpu.memref_slice %arg19[%dma_wait3A_72, %dma_wait3A_73] : memref<10112x128xf32, #tpu.memory_space<vmem_shared>> -> memref<520x128xf32, #tpu.memory_space<vmem_shared>>
        tpu.wait_dma2 semaphore(%run_scoped3A : memref<!tpu.dma_semaphore, #tpu.memory_space<semaphore_mem>>) src(%dma_wait3A_74 : memref<520x128xf32, #tpu.memory_space<vmem_shared>>) dst(%dma_wait3A_71 : memref<520x128xf32, #tpu.memory_space<hbm>>)
        tpu.yield
      }) : () -> ()
    } else {
    }
    %ne3A_51 = arith.constant 0 : i32
    %ne3A_52 = arith.cmpi ne, %arg0, %ne3A_51 : i32
    %not3A_53 = arith.constant true
    %not3A_54 = arith.xori %eq3A_38, %not3A_53 : i1
    %and3A_55 = arith.andi %ne3A_52, %not3A_54 : i1
    %convert_element_type3A_56 = arith.extui %and3A_55 : i1 to i32
    %cond3A_57 = arith.constant 0 : i32
    %cond3A_58 = arith.cmpi ne, %convert_element_type3A_56, %cond3A_57 : i32
    scf.if %cond3A_58 {
      "tpu.region"() ({
        %run_scoped3A = tpu.sem_alloc : memref<!tpu.dma_semaphore, #tpu.memory_space<semaphore_mem>>
        %dma_start3A = arith.constant 0 : i32
        %dma_start3A_65 = tpu.memref_slice %arg8[%mul3A_36, %dma_start3A] : memref<10000x128xf32, #tpu.memory_space<hbm>> -> memref<632x128xf32, #tpu.memory_space<hbm>>
        %dma_start3A_66 = arith.constant 0 : i32
        %dma_start3A_67 = tpu.memref_slice %arg19[%mul3A_36, %dma_start3A_66] : memref<10112x128xf32, #tpu.memory_space<vmem_shared>> -> memref<632x128xf32, #tpu.memory_space<vmem_shared>>
        tpu.enqueue_dma source(%dma_start3A_67 : memref<632x128xf32, #tpu.memory_space<vmem_shared>>) target(%dma_start3A_65 : memref<632x128xf32, #tpu.memory_space<hbm>>) target_semaphore(%run_scoped3A : memref<!tpu.dma_semaphore, #tpu.memory_space<semaphore_mem>>)
        %dma_wait3A = arith.constant 0 : i32
        %dma_wait3A_68 = tpu.memref_slice %arg8[%mul3A_36, %dma_wait3A] : memref<10000x128xf32, #tpu.memory_space<hbm>> -> memref<632x128xf32, #tpu.memory_space<hbm>>
        %dma_wait3A_69 = arith.constant 0 : i32
        %dma_wait3A_70 = tpu.memref_slice %arg19[%mul3A_36, %dma_wait3A_69] : memref<10112x128xf32, #tpu.memory_space<vmem_shared>> -> memref<632x128xf32, #tpu.memory_space<vmem_shared>>
        tpu.wait_dma2 semaphore(%run_scoped3A : memref<!tpu.dma_semaphore, #tpu.memory_space<semaphore_mem>>) src(%dma_wait3A_70 : memref<632x128xf32, #tpu.memory_space<vmem_shared>>) dst(%dma_wait3A_68 : memref<632x128xf32, #tpu.memory_space<hbm>>)
        tpu.yield
      }) : () -> ()
    } else {
    }
    %ne3A_59 = arith.constant 0 : i32
    %ne3A_60 = arith.cmpi ne, %arg0, %ne3A_59 : i32
    %and3A_61 = arith.andi %ne3A_60, %eq3A_38 : i1
    %convert_element_type3A_62 = arith.extui %and3A_61 : i1 to i32
    %cond3A_63 = arith.constant 0 : i32
    %cond3A_64 = arith.cmpi ne, %convert_element_type3A_62, %cond3A_63 : i32
    scf.if %cond3A_64 {
      "tpu.region"() ({
        %run_scoped3A = tpu.sem_alloc : memref<!tpu.dma_semaphore, #tpu.memory_space<semaphore_mem>>
        %dma_start3A = arith.constant 9480 : i32
        %dma_start3A_65 = arith.constant 0 : i32
        %dma_start3A_66 = tpu.memref_slice %arg8[%dma_start3A, %dma_start3A_65] : memref<10000x128xf32, #tpu.memory_space<hbm>> -> memref<520x128xf32, #tpu.memory_space<hbm>>
        %dma_start3A_67 = arith.constant 9480 : i32
        %dma_start3A_68 = arith.constant 0 : i32
        %dma_start3A_69 = tpu.memref_slice %arg19[%dma_start3A_67, %dma_start3A_68] : memref<10112x128xf32, #tpu.memory_space<vmem_shared>> -> memref<520x128xf32, #tpu.memory_space<vmem_shared>>
        tpu.enqueue_dma source(%dma_start3A_69 : memref<520x128xf32, #tpu.memory_space<vmem_shared>>) target(%dma_start3A_66 : memref<520x128xf32, #tpu.memory_space<hbm>>) target_semaphore(%run_scoped3A : memref<!tpu.dma_semaphore, #tpu.memory_space<semaphore_mem>>)
        %dma_wait3A = arith.constant 9480 : i32
        %dma_wait3A_70 = arith.constant 0 : i32
        %dma_wait3A_71 = tpu.memref_slice %arg8[%dma_wait3A, %dma_wait3A_70] : memref<10000x128xf32, #tpu.memory_space<hbm>> -> memref<520x128xf32, #tpu.memory_space<hbm>>
        %dma_wait3A_72 = arith.constant 9480 : i32
        %dma_wait3A_73 = arith.constant 0 : i32
        %dma_wait3A_74 = tpu.memref_slice %arg19[%dma_wait3A_72, %dma_wait3A_73] : memref<10112x128xf32, #tpu.memory_space<vmem_shared>> -> memref<520x128xf32, #tpu.memory_space<vmem_shared>>
        tpu.wait_dma2 semaphore(%run_scoped3A : memref<!tpu.dma_semaphore, #tpu.memory_space<semaphore_mem>>) src(%dma_wait3A_74 : memref<520x128xf32, #tpu.memory_space<vmem_shared>>) dst(%dma_wait3A_71 : memref<520x128xf32, #tpu.memory_space<hbm>>)
        tpu.yield
      }) : () -> ()
    } else {
    }
    return
  }
}

module attributes {stable_mosaic.version = 14 : i64} {
  func.func @_gru_body(%arg0: i32, %arg1: memref<1000x128xf32, #tpu.memory_space<vmem>>, %arg2: memref<1000x128xf32, #tpu.memory_space<vmem>>, %arg3: memref<1000x128xf32, #tpu.memory_space<vmem>>, %arg4: memref<1000x128xf32, #tpu.memory_space<vmem>>, %arg5: memref<256x384xf32, #tpu.memory_space<vmem>>, %arg6: memref<256x384xf32, #tpu.memory_space<vmem>>, %arg7: memref<1x384xf32, #tpu.memory_space<vmem>>, %arg8: memref<1x384xf32, #tpu.memory_space<vmem>>, %arg9: memref<1000x128xf32, #tpu.memory_space<vmem>>) attributes {dimension_semantics = [#tpu.dimension_semantics<arbitrary>], iteration_bounds = array<i64: 10>, scalar_prefetch = 0 : i64, scratch_operands = 0 : i64, tpu.core_type = #tpu.core_type<tc>, window_params = [{transform_indices = @transform_0, window_bounds = array<i64: 1000, 128>}, {transform_indices = @transform_1, window_bounds = array<i64: 1000, 128>}, {transform_indices = @transform_2, window_bounds = array<i64: 1000, 128>}, {transform_indices = @transform_3, window_bounds = array<i64: 1000, 128>}, {pipeline_mode = #tpu.pipeline_mode<synchronous>, transform_indices = @transform_4, window_bounds = array<i64: 256, 384>}, {pipeline_mode = #tpu.pipeline_mode<synchronous>, transform_indices = @transform_5, window_bounds = array<i64: 256, 384>}, {pipeline_mode = #tpu.pipeline_mode<synchronous>, transform_indices = @transform_6, window_bounds = array<i64: 1, 384>}, {pipeline_mode = #tpu.pipeline_mode<synchronous>, transform_indices = @transform_7, window_bounds = array<i64: 1, 384>}, {transform_indices = @transform_8, window_bounds = array<i64: 1000, 128>}]} {
    %get3A = arith.constant 0 : index
    %get3A_0 = arith.constant 0 : index
    %get3A_1 = vector.load %arg1[%get3A, %get3A_0] : memref<1000x128xf32, #tpu.memory_space<vmem>>, vector<1000x128xf32>
    %get3A_2 = arith.constant 0 : index
    %get3A_3 = arith.constant 0 : index
    %get3A_4 = vector.load %arg3[%get3A_2, %get3A_3] : memref<1000x128xf32, #tpu.memory_space<vmem>>, vector<1000x128xf32>
    %concatenate3A = tpu.concatenate %get3A_1, %get3A_4 in 1 : vector<1000x128xf32>, vector<1000x128xf32> -> vector<1000x256xf32>
    %get3A_5 = arith.constant 0 : index
    %get3A_6 = arith.constant 0 : index
    %get3A_7 = vector.load %arg2[%get3A_5, %get3A_6] : memref<1000x128xf32, #tpu.memory_space<vmem>>, vector<1000x128xf32>
    %get3A_8 = arith.constant 0 : index
    %get3A_9 = arith.constant 0 : index
    %get3A_10 = vector.load %arg4[%get3A_8, %get3A_9] : memref<1000x128xf32, #tpu.memory_space<vmem>>, vector<1000x128xf32>
    %concatenate3A_11 = tpu.concatenate %get3A_7, %get3A_10 in 1 : vector<1000x128xf32>, vector<1000x128xf32> -> vector<1000x256xf32>
    %get3A_12 = arith.constant 0 : index
    %get3A_13 = arith.constant 0 : index
    %get3A_14 = vector.load %arg5[%get3A_12, %get3A_13] : memref<256x384xf32, #tpu.memory_space<vmem>>, vector<256x384xf32>
    %dot_general3A = arith.constant dense<0.000000e+00> : vector<1000x384xf32>
    %dot_general3A_15 = tpu.matmul %concatenate3A, %get3A_14, %dot_general3A {dimension_numbers = #tpu.dot_dimension_numbers<[1], [0], [0], [1], [0, 0, 1, 1], [], []>, transpose_lhs_hint = false} : vector<1000x256xf32>, vector<256x384xf32>, vector<1000x384xf32> -> vector<1000x384xf32>
    %get3A_16 = arith.constant 0 : index
    %get3A_17 = arith.constant 0 : index
    %get3A_18 = vector.load %arg7[%get3A_16, %get3A_17] : memref<1x384xf32, #tpu.memory_space<vmem>>, vector<1x384xf32>
    %add3A = vector.broadcast %get3A_18 : vector<1x384xf32> to vector<1000x384xf32>
    %add3A_19 = arith.addf %dot_general3A_15, %add3A : vector<1000x384xf32>
    %get3A_20 = arith.constant 0 : index
    %get3A_21 = arith.constant 0 : index
    %get3A_22 = vector.load %arg6[%get3A_20, %get3A_21] : memref<256x384xf32, #tpu.memory_space<vmem>>, vector<256x384xf32>
    %dot_general3A_23 = arith.constant dense<0.000000e+00> : vector<1000x384xf32>
    %dot_general3A_24 = tpu.matmul %concatenate3A_11, %get3A_22, %dot_general3A_23 {dimension_numbers = #tpu.dot_dimension_numbers<[1], [0], [0], [1], [0, 0, 1, 1], [], []>, transpose_lhs_hint = false} : vector<1000x256xf32>, vector<256x384xf32>, vector<1000x384xf32> -> vector<1000x384xf32>
    %get3A_25 = arith.constant 0 : index
    %get3A_26 = arith.constant 0 : index
    %get3A_27 = vector.load %arg8[%get3A_25, %get3A_26] : memref<1x384xf32, #tpu.memory_space<vmem>>, vector<1x384xf32>
    %add3A_28 = vector.broadcast %get3A_27 : vector<1x384xf32> to vector<1000x384xf32>
    %add3A_29 = arith.addf %dot_general3A_24, %add3A_28 : vector<1000x384xf32>
    %slice3A = vector.extract_strided_slice %add3A_19 {offsets = [0, 0], sizes = [1000, 128], strides = [1, 1]} : vector<1000x384xf32> to vector<1000x128xf32>
    %slice3A_30 = vector.extract_strided_slice %add3A_29 {offsets = [0, 0], sizes = [1000, 128], strides = [1, 1]} : vector<1000x384xf32> to vector<1000x128xf32>
    %add3A_31 = arith.addf %slice3A, %slice3A_30 : vector<1000x128xf32>
    %logistic3A = arith.negf %add3A_31 : vector<1000x128xf32>
    %logistic3A_32 = math.exp %logistic3A : vector<1000x128xf32>
    %logistic3A_33 = arith.constant 1.000000e+00 : f32
    %logistic3A_34 = vector.broadcast %logistic3A_33 : f32 to vector<1000x128xf32>
    %logistic3A_35 = arith.addf %logistic3A_34, %logistic3A_32 : vector<1000x128xf32>
    %logistic3A_36 = arith.divf %logistic3A_34, %logistic3A_35 : vector<1000x128xf32>
    %slice3A_37 = vector.extract_strided_slice %add3A_19 {offsets = [0, 128], sizes = [1000, 128], strides = [1, 1]} : vector<1000x384xf32> to vector<1000x128xf32>
    %slice3A_38 = vector.extract_strided_slice %add3A_29 {offsets = [0, 128], sizes = [1000, 128], strides = [1, 1]} : vector<1000x384xf32> to vector<1000x128xf32>
    %add3A_39 = arith.addf %slice3A_37, %slice3A_38 : vector<1000x128xf32>
    %logistic3A_40 = arith.negf %add3A_39 : vector<1000x128xf32>
    %logistic3A_41 = math.exp %logistic3A_40 : vector<1000x128xf32>
    %logistic3A_42 = arith.constant 1.000000e+00 : f32
    %logistic3A_43 = vector.broadcast %logistic3A_42 : f32 to vector<1000x128xf32>
    %logistic3A_44 = arith.addf %logistic3A_43, %logistic3A_41 : vector<1000x128xf32>
    %logistic3A_45 = arith.divf %logistic3A_43, %logistic3A_44 : vector<1000x128xf32>
    %slice3A_46 = vector.extract_strided_slice %add3A_19 {offsets = [0, 256], sizes = [1000, 128], strides = [1, 1]} : vector<1000x384xf32> to vector<1000x128xf32>
    %slice3A_47 = vector.extract_strided_slice %add3A_29 {offsets = [0, 256], sizes = [1000, 128], strides = [1, 1]} : vector<1000x384xf32> to vector<1000x128xf32>
    %mul3A = arith.mulf %logistic3A_36, %slice3A_47 : vector<1000x128xf32>
    %add3A_48 = arith.addf %slice3A_46, %mul3A : vector<1000x128xf32>
    %tanh3A = math.tanh %add3A_48 : vector<1000x128xf32>
    %sub3A = arith.constant 1.000000e+00 : f32
    %sub3A_49 = vector.broadcast %sub3A : f32 to vector<1000x128xf32>
    %sub3A_50 = arith.subf %sub3A_49, %logistic3A_45 : vector<1000x128xf32>
    %mul3A_51 = arith.mulf %sub3A_50, %tanh3A : vector<1000x128xf32>
    %get3A_52 = arith.constant 0 : index
    %get3A_53 = arith.constant 0 : index
    %get3A_54 = vector.load %arg2[%get3A_52, %get3A_53] : memref<1000x128xf32, #tpu.memory_space<vmem>>, vector<1000x128xf32>
    %mul3A_55 = arith.mulf %logistic3A_45, %get3A_54 : vector<1000x128xf32>
    %add3A_56 = arith.addf %mul3A_51, %mul3A_55 : vector<1000x128xf32>
    %swap3A = arith.constant 0 : index
    %swap3A_57 = arith.constant 0 : index
    %swap3A_58 = vector.load %arg9[%swap3A, %swap3A_57] : memref<1000x128xf32, #tpu.memory_space<vmem>>, vector<1000x128xf32>
    tpu.vector_store %arg9[%swap3A, %swap3A_57], %add3A_56 {strides = array<i32>} : memref<1000x128xf32, #tpu.memory_space<vmem>>, vector<1000x128xf32>,
    return
  }
  func.func @transform_0(%arg0: i32) -> (i32, i32) {
    %c0_i32 = arith.constant 0 : i32
    %c0_i32_0 = arith.constant 0 : i32
    return %arg0, %c0_i32 : i32, i32
  }
  func.func @transform_1(%arg0: i32) -> (i32, i32) {
    %c0_i32 = arith.constant 0 : i32
    %c0_i32_0 = arith.constant 0 : i32
    return %arg0, %c0_i32 : i32, i32
  }
  func.func @transform_2(%arg0: i32) -> (i32, i32) {
    %c0_i32 = arith.constant 0 : i32
    %c0_i32_0 = arith.constant 0 : i32
    return %arg0, %c0_i32 : i32, i32
  }
  func.func @transform_3(%arg0: i32) -> (i32, i32) {
    %c0_i32 = arith.constant 0 : i32
    %c0_i32_0 = arith.constant 0 : i32
    return %arg0, %c0_i32 : i32, i32
  }
  func.func @transform_4(%arg0: i32) -> (i32, i32) {
    %c0_i32 = arith.constant 0 : i32
    %c0_i32_0 = arith.constant 0 : i32
    %c0_i32_1 = arith.constant 0 : i32
    return %c0_i32, %c0_i32_0 : i32, i32
  }
  func.func @transform_5(%arg0: i32) -> (i32, i32) {
    %c0_i32 = arith.constant 0 : i32
    %c0_i32_0 = arith.constant 0 : i32
    %c0_i32_1 = arith.constant 0 : i32
    return %c0_i32, %c0_i32_0 : i32, i32
  }
  func.func @transform_6(%arg0: i32) -> (i32, i32) {
    %c0_i32 = arith.constant 0 : i32
    %c0_i32_0 = arith.constant 0 : i32
    %c0_i32_1 = arith.constant 0 : i32
    return %c0_i32, %c0_i32_0 : i32, i32
  }
  func.func @transform_7(%arg0: i32) -> (i32, i32) {
    %c0_i32 = arith.constant 0 : i32
    %c0_i32_0 = arith.constant 0 : i32
    %c0_i32_1 = arith.constant 0 : i32
    return %c0_i32, %c0_i32_0 : i32, i32
  }
  func.func @transform_8(%arg0: i32) -> (i32, i32) {
    %c0_i32 = arith.constant 0 : i32
    %c0_i32_0 = arith.constant 0 : i32
    return %arg0, %c0_i32 : i32, i32
  }
}

</mosaic_0001>

<sc_bundles>
// kernel: kernel.4.cloned.1.call-start
scs
__scs_entry_jumppad:
0x0: {  	(pc) =	sbr.rel $0x88, $3  }
0x1: {  	(tag) =	ssettag $0x0;
	lr =	simm.s32 $0x1  }
0x2: {  	[smem:$0x3F97] =	sst lr;
	_ =	strace $0xD0000000  }
0x3: {  	_ = 	snop  }
0x4: {  	_ = 	snop  }
0x5: {  	_ = 	snop  }
0x6: {  	_ = 	snop  }
0x7: {  	_ = 	snop  }
__scs_overlays_trampoline_lowered:
0x8: {  	[smem:$0x3FA6] =	sst s0  }
0x9: {  	[smem:$0x3FA7] =	sst s1  }
0xa: {  	[smem:$0x3FA8] =	sst s2  }
0xb: {  	[smem:$0x3FA9] =	sst s3  }
0xc: {  	[smem:$0x3FAA] =	sst s4  }
0xd: {  	[smem:$0x3FAB] =	sst s5  }
0xe: {  	[smem:$0x3FAC] =	sst s6  }
0xf: {  	[smem:$0x3FAD] =	sst s7  }
0x10: {  	[smem:$0x3FAE] =	sst s8  }
0x11: {  	[smem:$0x3FAF] =	sst s9;
	s0 =	simm.s32 @!p0 $0x0  }
0x12: {  	s1 =	sld [smem:$0x3F95];
	s0 =	simm.s32 @p0 $0x1  }
0x13: {  	[smem:$0x3FB0] =	sst s0;
	s0 =	simm.s32 @!p1 $0x0  }
0x14: {  	s2 =	sld [smem:$0x3F94];
	s0 =	simm.s32 @p1 $0x1  }
0x15: {  	[smem:$0x3FB1] =	sst s0;
	s0 =	simm.s32 @!p2 $0x0  }
0x16: {  	s3 =	sld [smem:$0x3FDB];
	s0 =	simm.s32 @p2 $0x1  }
0x17: {  	s4 =	simm.s32 $0x1BF5;
	[smem:$0x3FB3] =	sst s0  }
0x18: {  	s0 =	sld [smem:$0x3F96];
	_ =	swait.ge [sflag:s4], $0x0  }
0x19: {  	s7 =	sld [smem:$0x3F97]  }
0x1a: {  	s8 =	sadd.s32 $0xFFFFE003, lr  }
0x1b: {  	s9 =	sadd.s32 $0xFFFFFEF7, lr;
	s5 =	simm.s32 $0xFFFFFFFF;
	p2 =	slt.u32 s8, $0xFFFFF086  }
0x1c: {  	p1 =	slt.u32 s9, $0xF7A;
	s5 =	simm.s32 @!p2 $0x0  }
0x1d: {  	s5 =	simm.s32 @p1 $0x1;
	p0 =	seq.s32 s7, s2  }
0x1e: {  	s7 =	smul.u32 @!p0 $0xF7A, s2;
	p2 =	seq.s32 @!p0 s5, $0x0  }
0x1f: {  	s9 =	smul.u32 $0xF7A, s1;
	s8 =	simm.s32 @!p0 $0x1BF5;
	p2 =	por !p2, p0  }
0x20: {  	[sflag:s8] =	ssyncset.s32 @!p0 $0xFFFFF086;
	s6 =	sadd.s32 @!p0 s3, s7;
	s7 =	simm.s32 @!p0 $0x108  }
0x21: {  	s3 =	sadd.s32 s3, s9;
	s6 =	sadd.s32 @!p0 $0x88, s6;
	s7 =	simm.s32 @p2 $0x1082  }
0x22: {  	[simem:s7], [sflag:s8] =	dma.local @!p0 [hbm:s6], $0xF7A  }
0x23: {  	s9 =	sor.u32 $0xD0000000, s2;
	s6 =	simm.s32 $0x108;
	_ =	swait.ge @!p0 [sflag:s8], $0x0  }
0x24: {  	s3 =	sadd.s32 $0x88, s3;
	s6 =	simm.s32 @!p1 $0x1082;
	[sflag:s4] =	ssyncset.s32 $0xFFFFF086  }
0x25: {  	[simem:s6], [sflag:s4] =	dma.local [hbm:s3], $0xF7A  }
0x26: {  	[smem:$0x3F97] =	sst s1;
	(tag) =	ssettag s2;
	_ =	strace s9  }
0x27: {  	s1 =	sld [smem:$0x3FA7]  }
0x28: {  	s2 =	sld [smem:$0x3FA8]  }
0x29: {  	s4 =	sld [smem:$0x3FAA]  }
0x2a: {  	p0 =	seq.s32 s5, $0x0;
	s5 =	sld [smem:$0x3FAB]  }
0x2b: {  	s6 =	sld [smem:$0x3FAC]  }
0x2c: {  	s7 =	sld [smem:$0x3FAD]  }
0x2d: {  	s3 =	simm.s32 $0x108;
	s8 =	sld [smem:$0x3FAE]  }
0x2e: {  	s3 =	simm.s32 @!p0 $0x1082;
	s9 =	sld [smem:$0x3FAF]  }
0x2f: {  	lr =	sadd.s32 s0, s3;
	s0 =	sld [smem:$0x3FA6]  }
0x30: {  	s3 =	sld [smem:$0x3FA9]  }
0x31: {  	[smem:$0x3FB2] =	sst s10  }
0x32: {  	s10 =	sld [smem:$0x3FB0];
	_ =	sdelay $0x3  }
0x33: {  	p0 =	seq.s32 s10, $0x1;
	s10 =	sld [smem:$0x3FB2];
	_ =	sdelay $0x3  }
0x34: {  	[smem:$0x3FB2] =	sst s10  }
0x35: {  	s10 =	sld [smem:$0x3FB1];
	_ =	sdelay $0x3  }
0x36: {  	p1 =	seq.s32 s10, $0x1;
	s10 =	sld [smem:$0x3FB2];
	_ =	sdelay $0x3  }
0x37: {  	[smem:$0x3FB2] =	sst s10  }
0x38: {  	s10 =	sld [smem:$0x3FB3]  }
0x39: {  	_ = 	snop;
	(pc) =	sbr.ind lr, $3  }
0x3a: {  	_ = 	snop  }
0x3b: {  	_ = 	snop  }
0x3c: {  	p2 =	seq.s32 s10, $0x1;
	s10 =	sld [smem:$0x3FB2]  }
0x3d: {  	_ =	shalt  }
0x3e: {  	_ =	shalt  }
0x3f: {  	_ =	shalt  }
0x40: {  	_ =	shalt  }
0x41: {  	_ =	shalt  }
0x42: {  	_ =	shalt  }
0x43: {  	_ =	shalt  }
0x44: {  	_ =	shalt  }
0x45: {  	_ =	shalt  }
0x46: {  	_ =	shalt  }
0x47: {  	_ =	shalt  }
0x48: {  	_ =	shalt  }
0x49: {  	_ =	shalt  }
0x4a: {  	_ =	shalt  }
0x4b: {  	_ =	shalt  }
0x4c: {  	_ =	shalt  }
0x4d: {  	_ =	shalt  }
0x4e: {  	_ =	shalt  }
0x4f: {  	_ =	shalt  }
0x50: {  	_ =	shalt  }
0x51: {  	_ =	shalt  }
0x52: {  	_ =	shalt  }
0x53: {  	_ =	shalt  }
0x54: {  	_ =	shalt  }
0x55: {  	_ =	shalt  }
0x56: {  	_ =	shalt  }
0x57: {  	_ =	shalt  }
0x58: {  	_ =	shalt  }
0x59: {  	_ =	shalt  }
0x5a: {  	_ =	shalt  }
0x5b: {  	_ =	shalt  }
0x5c: {  	_ =	shalt  }
0x5d: {  	_ =	shalt  }
0x5e: {  	_ =	shalt  }
0x5f: {  	_ =	shalt  }
0x60: {  	_ =	shalt  }
0x61: {  	_ =	shalt  }
0x62: {  	_ =	shalt  }
0x63: {  	_ =	shalt  }
0x64: {  	_ =	shalt  }
0x65: {  	_ =	shalt  }
0x66: {  	_ =	shalt  }
0x67: {  	_ =	shalt  }
0x68: {  	_ =	shalt  }
0x69: {  	_ =	shalt  }
0x6a: {  	_ =	shalt  }
0x6b: {  	_ =	shalt  }
0x6c: {  	_ =	shalt  }
0x6d: {  	_ =	shalt  }
0x6e: {  	_ =	shalt  }
0x6f: {  	_ =	shalt  }
0x70: {  	_ =	shalt  }
0x71: {  	_ =	shalt  }
0x72: {  	_ =	shalt  }
0x73: {  	_ =	shalt  }
0x74: {  	_ =	shalt  }
0x75: {  	_ =	shalt  }
0x76: {  	_ =	shalt  }
0x77: {  	_ =	shalt  }
0x78: {  	_ =	shalt  }
0x79: {  	_ =	shalt  }
0x7a: {  	_ =	shalt  }
0x7b: {  	_ =	shalt  }
0x7c: {  	_ =	shalt  }
0x7d: {  	_ =	shalt  }
0x7e: {  	_ =	shalt  }
0x7f: {  	_ =	shalt  }
0x80: {  	_ =	shalt  }
0x81: {  	_ =	shalt  }
0x82: {  	_ =	shalt  }
0x83: {  	_ =	shalt  }
0x84: {  	_ =	shalt  }
0x85: {  	_ =	shalt  }
0x86: {  	_ =	shalt  }
0x87: {  	_ =	shalt  }
.Lfunc_end0:
.L_simem_size_0:
called_computation_lowered:
.L_overlay_start_0:
0x88: {  	s2 =	sld [smem:$0x3FD9]  }
0x89: {  	s3 =	sld [smem:$0x3FFE];
	_ =	sdelay $0x1  }
0x8a: {  	s1 =	srdreg.scid  }
0x8b: {  	s0 =	sand.u32 $0x1, s1  }
0x8c: {  	s17 =	sshll.u32 s0, $0xA;
	s2 =	sadd.s32 s3, s2  }
0x8d: {  	s2 =	sadd.s32 s2, s17  }
0x8e: {  	[smem:$0x3FBE] =	sst s2  }
0x8f: {  	_ = 	snop  }
0x90: {  	s2 =	sld [smem:$0x3FC9]  }
0x91: {  	s18 =	sld [smem:$0x3FC7]  }
0x92: {  	s4 =	sld [smem:$0x3FD0];
	(tm) =	ssettm $0x1  }
0x93: {  	s5 =	sld [smem:$0x3FFB];
	_ =	sdelay $0x3  }
0x94: {  	_ =	strace s5  }
0x95: {  	s5 =	sld [smem:$0x3FFC];
	_ =	sdelay $0x3  }
0x96: {  	_ =	strace s5  }
0x97: {  	s5 =	sld [smem:$0x3FFD];
	_ =	sdelay $0x3  }
0x98: {  	_ =	strace s5  }
0x99: {  	_ =	strace $0x8FFFFFFF  }
0x9a: {  	s19 =	sld [smem:$0x3FDB];
	_ =	sdelay $0x1  }
0x9b: {  	s6 =	simm.s32 $_scs_section_size  }
0x9c: {  	s7 =	simm.s32 $_size__tile_overlayer_lowered;
	s8 =	simm.s32 $_tile_overlayer_lowered  }
0x9d: {  	s22 =	simm.s32 $0x1BFF;
	s21 =	sshll.u32 s8, $0x1;
	s5 =	sadd.s32 s6, s19  }
0x9e: {  	s9 =	simm.s32 $0x0;
	s20 =	sshll.u32 s7, $0x1;
	s7 =	sadd.s32 s21, s5  }
0x9f: {  	[timem:s9], [sflag:s22] =	dma.local [hbm:s7], s20  }
0xa0: {  	_ =	swait.ge [sflag:s22], s20  }
0xa1: {  	s6 =	ssub.s32 $0x0, s20;
	[sflag:s22] =	ssyncset.done $0x0  }
0xa2: {  	[sflag:s22] =	ssyncadd.s32 s6;
	_ =	sdelay $0x1  }
0xa3: {  	s23 =	simm.s32 $0x1B8B  }
0xa4: {  	_ =	swait.ge [sflag:s23], $0x1  }
0xa5: {  	[sflag:s23] =	ssyncset.done $0x0  }
0xa6: {  	s25 =	simm.s32 $0x1B8E;
	s24 =	sld [smem:$0x3FFE];
	[sflag:s23] =	ssyncadd.s32 $0xFFFFFFFF  }
0xa7: {  	s26 =	simm.s32 $execute0_lowered;
	[smem:$0x3FD2] =	sst s25  }
0xa8: {  	s7 =	sshll.u32 s26, $0x1;
	_ =	strace $0x80000046;
	[dreg:$0x1] =	wrdreg $0xFFFFFFFF  }
0xa9: {  	s28 =	simm.s32 $_size_execute0_lowered;
	s5 =	sadd.s32 s5, s7;
	[dreg:$0x0] =	wrdreg $0x0  }
0xaa: {  	s7 =	sshll.u32 s28, $0x1;
	[dreg:$0x2] =	wrdreg s5  }
0xab: {  	[dreg:$0x3] =	wrdreg s7  }
0xac: {  	[dreg:$0x4] =	wrdreg $0xC0  }
0xad: {  	_ =	task [dreg:s9], $0x5FFFF  }
0xae: {  	[dreg:$0x1] =	wrdreg $0xFFFFFFFF  }
0xaf: {  	[dreg:$0x0] =	wrdreg $0x60  }
0xb0: {  	[dreg:$0x2] =	wrdreg s2  }
0xb1: {  	[dreg:$0x3] =	wrdreg s18  }
0xb2: {  	[dreg:$0x4] =	wrdreg s24  }
0xb3: {  	[dreg:$0x5] =	wrdreg s4  }
0xb4: {  	[dreg:$0x6] =	wrdreg $0xC0000  }
0xb5: {  	[dreg:$0x7] =	wrdreg $0x9  }
0xb6: {  	_ =	task.clear_ibuf [dreg:s9], $0x8FFFF;
	_ =	strace $0x90000046  }
0xb7: {  	s29 =	simm.s32 $0x9;
	_ =	strace $0x80000048  }
0xb8: {  	_ =	swait.ge [sflag:s29], $0x1  }
0xb9: {  	[sflag:s29] =	ssyncadd.s32 $0xFFFFFFFF  }
0xba: {  	_ =	strace $0x90000048  }
0xbb: {  	_ =	sfence  }
0xbc: {  	s30 =	sld [smem:$0x0];
	_ =	sdelay $0x2  }
0xbd: {  	s31 =	sshll.u32 s1, $0xD;
	s1 =	sshrl.u32 s1, $0x2  }
0xbe: {  	s3 =	sand.u32 $0x4000, s31;
	s1 =	sadd.s32 s1, s30  }
0xbf: {  	s0 =	sor.u32 s3, s0;
	s1 =	sshll.u32 s1, $0x11  }
0xc0: {  	s0 =	sor.u32 s1, s0  }
0xc1: {  	s0 =	sadd.s32 $0x8F2B, s0  }
0xc2: {  	[sflag:s0] =	ssyncadd.remote.s32 $0x1  }
0xc3: {  	_ =	sfence.sel $0xFFFF  }
0xc4: {  	[dreg:$0x0] =	wrdreg $0xFFFFFFFF;
	(pc) =	sbr.abs _section_cstart, $3  }
0xc5: {  	[dreg:$0x1] =	wrdreg $0xFFFFFFFF  }
0xc6: {  	_ =	task.clear_ibuf [dreg:s9], $0x2FFFF;
	_ =	strace $0x9FFFFFFF  }
0xc7: {  	(tm) =	ssettm $0x7FFFFFFF  }
tec
execute0_lowered:
.L_overlay_start_1:
0x0: {  	(tag) =	ssettag $0x1  }
0x1: {  	s1 =	rddreg [dreg:$0x0]  }
0x2: {  	s2 =	rddreg [dreg:$0x1]  }
0x3: {  	s0 =	rddreg [dreg:$0x2]  }
0x4: {  	s3 =	rddreg [dreg:$0x3]  }
0x5: {  	s4 =	rddreg [dreg:$0x4];
	s5 =	simm.s32 $0x0  }
0x6: {  	s16 =	stileid.u32;
	s6 =	srdreg.scid;
	s28 =	simm.s32 $0x4000  }
0x7: {  	s29 =	simm.s32 $0x8000;
	s31 =	simm.s32 $0xA000;
	s17 =	smul.u32 $0x2780, s16  }
0x8: {  	[smem:$0x7FF] =	sst s5;
	s6 =	sand.u32 $0x1, s6;
	s7 =	smul.u32 $0xA000, s16  }
0x9: {  	s8 =	sadd.s32 $0x2400, s0;
	s9 =	sadd.s32 $0x16400, s0;
	s22 =	sadd.s32 $0x128400, s4  }
0xa: {  	s23 =	sadd.s32 $0x25080, s3;
	_ =	strace $0x80000047;
	[dreg:$0xc] =	wrdreg s22  }
0xb: {  	s15 =	smul.u32 $0x4F000, s16;
	p2 =	seq.s32 s16, $0xF;
	[dreg:$0xd] =	wrdreg s23  }
0xc: {  	p3 =	sne.s32 s16, $0xF;
	s26 =	sshll.u32 s16, $0x6;
	[dreg:$0x6] =	wrdreg s28  }
0xd: {  	s10 =	ssub.s32 $0x2, s6;
	p1 =	seq.s32 s6, $0x0;
	[dreg:$0x7] =	wrdreg s29  }
0xe: {  	p0 =	seq.s32 s6, $0x1;
	s23 =	simm.s32 $0x1;
	[dreg:$0x8] =	wrdreg s31  }
0xf: {  	s13 =	sadd.s32 s17, s0;
	s11 =	sshrl.u32 s10, $0x1;
	s12 =	sshrl.u32 s7, $0x3  }
0x10: {  	s20 =	sshrl.u32 s15, $0x2;
	p4 =	por !p1, !p3;
	p1 =	por !p1, !p2  }
0x11: {  	p5 =	por !p3, !p0;
	s3 =	sadd.s32 s3, s17;
	p6 =	por !p2, !p0  }
0x12: {  	s0 =	sadd.s32 $0x76C80, s0;
	s14 =	ssub.s32 s10, s11;
	[dreg:$0xe] =	wrdreg s3  }
0x13: {  	s18 =	sadd.s32 s8, s12;
	s19 =	sadd.s32 s9, s12;
	[dreg:$0xf] =	wrdreg s0  }
0x14: {  	s15 =	sadd.s32 s20, s4;
	s21 =	sadd.s32 $0x2A400, s13;
	[dreg:$0x9] =	wrdreg s18  }
0x15: {  	p4 =	por !p4, !p4;
	p1 =	por !p1, !p1;
	[dreg:$0xa] =	wrdreg s19  }
0x16: {  	s24 =	sadd.s32 $0x51C00, s13;
	[dreg:$0xb] =	wrdreg s21;
	s10 =	simm.s32 @!p4 $0x0  }
0x17: {  	[dreg:$0x10] =	wrdreg s24;
	s25 =	smax.u32 s14, $0x1;
	s19 =	simm.s32 $0x5  }
0x18: {  	s30 =	sshrl.u32 s15, $0x3;
	s24 =	simm.s32 $0x40;
	[dreg:$0x11] =	wrdreg s25  }
0x19: {  	s10 =	simm.s32 @p4 $0x1;
	p4 =	por !p6, !p6;
	[dreg:$0x13] =	wrdreg s30  }
.Ltmp0:
0x1a: {  	[smem:$0x7FB] =	sst s10;
	s10 =	simm.s32 @!p1 $0x0;
	(pc) =	sbr.rel .LBB2_1-.Ltmp0, $4  }
0x1b: {  	s25 =	simm.s32 $0x3;
	s10 =	simm.s32 @p1 $0x1;
	p1 =	por !p5, !p5  }
0x1c: {  	[smem:$0x7FC] =	sst s10;
	s3 =	simm.s32 @!p1 $0x0;
	s10 =	sor.u32 $0x1C05, s26  }
0x1d: {  	p5 =	sne.s32 s6, $0x0;
	s3 =	simm.s32 @p1 $0x1;
	[dreg:$0x12] =	wrdreg s10  }
0x1e: {  	s26 =	simm.s32 $0x4;
	[smem:$0x7FD] =	sst s3;
	s3 =	simm.s32 $0x0  }
.LBB2_10:
0x1f: {  	s0 =	rddreg [dreg:$0xc]  }
0x20: {  	s3 =	rddreg [dreg:$0xd];
	s0 =	sshrl.u32 s0, $0x3  }
0x21: {  	[hbm:s3], [sflag:s10] =	dma.local [spmem:s0], $0x2080  }
0x22: {  	_ =	swait.ge [sflag:s19], $0x2080  }
0x23: {  	[sflag:s19] =	ssyncset.done $0x0  }
0x24: {  	[sflag:s19] =	ssyncadd.s32 $0xFFFFDF80  }
.LBB2_11:
0x25: {  	s0 =	rddreg [dreg:$0xc]  }
0x26: {  	s3 =	rddreg [dreg:$0xf];
	s0 =	sshrl.u32 @p4 s0, $0x3  }
0x27: {  	[hbm:s3], [sflag:s10] =	dma.local @p4 [spmem:s0], $0x2080  }
0x28: {  	s0 =	simm.s32 @p4 $0x5  }
0x29: {  	_ =	swait.ge @p4 [sflag:s0], $0x2080  }
0x2a: {  	[sflag:s0] =	ssyncset.done @p4 $0x0  }
0x2b: {  	s3 =	rddreg [dreg:$0x14];
	[sflag:s0] =	ssyncadd.s32 @p4 $0xFFFFDF80  }
.LBB2_12:
0x2c: {  	s3 =	sadd.s32 $0x1, s3;
	s0 =	rddreg [dreg:$0x11]  }
0x2d: {  	p1 =	sne.s32 s3, s0  }
.Ltmp1:
0x2e: {  	_ = 	snop;
	(pc) =	sbr.rel @!p1 .LBB2_13-.Ltmp1, $1  }
0x2f: {  	_ =	sdelay $0x3  }
.LBB2_1:
0x30: {  	[dreg:$0x14] =	wrdreg s3  }
0x31: {  	s0 =	simm.s32 $0x0;
	s21 =	rddreg [dreg:$0x9]  }
0x32: {  	[tilespmem:s0], [sflag:$0x5] =	stream.linear.gather [hbm4b:s21+s0], $0x2000, $0x38;
	[tilespmem:$0x1FC00] =	vst v63  }
0x33: {  	_ =	swait.ge [sflag:s19], $0x2000  }
0x34: {  	[sflag:s19] =	ssyncset.done $0x0  }
0x35: {  	s5 =	simm.s32 $0x2000;
	s22 =	rddreg [dreg:$0xa];
	[sflag:s19] =	ssyncadd.s32 $0xFFFFE000  }
0x36: {  	[tilespmem:s5], [sflag:$0x5] =	stream.linear.gather [hbm4b:s22+s0], $0x2000, $0x38;
	[tilespmem:$0x1FC00] =	vst v63  }
0x37: {  	_ =	swait.ge [sflag:s19], $0x2000  }
0x38: {  	s3 =	simm.s32 @!p5 $0x4000;
	[sflag:s19] =	ssyncset.done $0x0  }
0x39: {  	s5 =	simm.s32 @!p5 $0x40;
	s0 =	simm.s32 @!p5 $0x0;
	[sflag:s19] =	ssyncadd.s32 $0xFFFFE000  }
0x3a: {  	[tilespmem:s3], [sflag:$0x1] =	stream.indirect.gather @!p5 [hbm4b:s1+s5], $0x80, s0, s5, $0xb8;
	[tilespmem:$0x1FC00] =	vst v63  }
0x3b: {  	s30 =	simm.s32 @p0 $0x40;
	s0 =	simm.s32 @p0 $0x0;
	s3 =	simm.s32 @p0 $0x4000  }
0x3c: {  	[tilespmem:s3], [sflag:$0x1] =	stream.indirect.gather @p0 [hbm4b:s2+s30], $0x80, s0, s30, $0xb8;
	[tilespmem:$0x1FC00] =	vst v63  }
0x3d: {  	s0 =	simm.s32 @!p5 $0x80;
	s3 =	simm.s32 @!p5 $0x6000  }
0x3e: {  	[tilespmem:s3], [sflag:$0x2] =	stream.indirect.gather @!p5 [hbm4b:s1+s5], $0x80, s0, s5, $0xb8;
	[tilespmem:$0x1FC00] =	vst v63  }
0x3f: {  	s0 =	simm.s32 @p0 $0x80;
	s3 =	simm.s32 @p0 $0x6000  }
0x40: {  	[tilespmem:s3], [sflag:$0x2] =	stream.indirect.gather @p0 [hbm4b:s2+s30], $0x80, s0, s30, $0xb8;
	[tilespmem:$0x1FC00] =	vst v63  }
0x41: {  	s28 =	rddreg [dreg:$0xb];
	s0 =	simm.s32 @!p5 $0x100;
	s3 =	simm.s32 @!p5 $0x8000  }
0x42: {  	[tilespmem:s3], [sflag:$0x3] =	stream.indirect.gather @!p5 [hbm4b:s1+s5], $0x80, s0, s5, $0xb8;
	[tilespmem:$0x1FC00] =	vst v63  }
0x43: {  	s29 =	rddreg [dreg:$0x13];
	s0 =	simm.s32 @p0 $0x100;
	s3 =	simm.s32 @p0 $0x8000  }
0x44: {  	[tilespmem:s3], [sflag:$0x3] =	stream.indirect.gather @p0 [hbm4b:s2+s30], $0x80, s0, s30, $0xb8;
	[tilespmem:$0x1FC00] =	vst v63  }
0x45: {  	[spmem:s29], [sflag:s10] =	dma.local [hbm:s28], $0x2780  }
0x46: {  	_ =	swait.ge [sflag:s19], $0x2780  }
0x47: {  	[sflag:s19] =	ssyncset.done $0x0  }
0x48: {  	[sflag:s19] =	ssyncadd.s32 $0xFFFFD880  }
0x49: {  	s31 =	simm.s32 $0x0;
	[bflag:$0x0] =	sbarrier.arrive $0xFFFF  }
.LBB2_2:
0x4a: {  	p1 =	seq.s32 s31, $0x0  }
0x4b: {  	s0 =	sshll.u32 @!p1 s31, $0xD  }
0x4c: {  	s0 =	sadd.s32 @!p1 s7, s0  }
0x4d: {  	s0 =	sshrl.u32 @!p1 s0, $0x3  }
0x4e: {  	s5 =	simm.s32 @!p1 $0x0;
	s3 =	sadd.s32 @!p1 s8, s0  }
0x4f: {  	[tilespmem:s5], [sflag:$0x5] =	stream.linear.gather @!p1 [hbm4b:s3+s5], $0x2000, $0x38;
	[tilespmem:$0x1FC00] =	vst v63  }
0x50: {  	s3 =	simm.s32 @!p1 $0x5  }
0x51: {  	_ =	swait.ge @!p1 [sflag:s3], $0x2000  }
0x52: {  	s13 =	simm.s32 @!p1 $0x2000;
	[sflag:s3] =	ssyncset.done @!p1 $0x0  }
0x53: {  	p2 =	sne.s32 @!p1 s6, $0x0;
	s0 =	sadd.s32 @!p1 s9, s0;
	[sflag:s3] =	ssyncadd.s32 @!p1 $0xFFFFE000  }
0x54: {  	[tilespmem:s13], [sflag:$0x5] =	stream.linear.gather @!p1 [hbm4b:s0+s5], $0x2000, $0x38;
	[tilespmem:$0x1FC00] =	vst v63  }
0x55: {  	p2 =	por p2, p1;
	_ =	swait.ge @!p1 [sflag:s3], $0x2000  }
0x56: {  	s0 =	simm.s32 @!p2 $0x40;
	s5 =	simm.s32 @!p2 $0x4000;
	[sflag:s3] =	ssyncset.done @!p1 $0x0  }
0x57: {  	[sflag:s3] =	ssyncadd.s32 @!p1 $0xFFFFE000;
	s3 =	simm.s32 @!p2 $0x0;
	p1 =	por !p0, p1  }
0x58: {  	[tilespmem:s5], [sflag:$0x1] =	stream.indirect.gather @!p2 [hbm4b:s1+s0], $0x80, s3, s0, $0xb8;
	[tilespmem:$0x1FC00] =	vst v63  }
0x59: {  	s3 =	simm.s32 @!p1 $0x40;
	s5 =	simm.s32 @!p1 $0x0;
	s13 =	simm.s32 @!p1 $0x4000  }
0x5a: {  	[tilespmem:s13], [sflag:$0x1] =	stream.indirect.gather @!p1 [hbm4b:s2+s3], $0x80, s5, s3, $0xb8;
	[tilespmem:$0x1FC00] =	vst v63  }
0x5b: {  	s5 =	simm.s32 @!p2 $0x80;
	s13 =	simm.s32 @!p2 $0x6000  }
0x5c: {  	[tilespmem:s13], [sflag:$0x2] =	stream.indirect.gather @!p2 [hbm4b:s1+s0], $0x80, s5, s0, $0xb8;
	[tilespmem:$0x1FC00] =	vst v63  }
0x5d: {  	s5 =	simm.s32 @!p1 $0x80;
	s13 =	simm.s32 @!p1 $0x6000  }
0x5e: {  	[tilespmem:s13], [sflag:$0x2] =	stream.indirect.gather @!p1 [hbm4b:s2+s3], $0x80, s5, s3, $0xb8;
	[tilespmem:$0x1FC00] =	vst v63  }
0x5f: {  	s5 =	simm.s32 @!p2 $0x100;
	s13 =	simm.s32 @!p2 $0x8000  }
0x60: {  	[tilespmem:s13], [sflag:$0x3] =	stream.indirect.gather @!p2 [hbm4b:s1+s0], $0x80, s5, s0, $0xb8;
	[tilespmem:$0x1FC00] =	vst v63  }
0x61: {  	s0 =	simm.s32 @!p1 $0x100;
	s5 =	simm.s32 @!p1 $0x8000  }
0x62: {  	[tilespmem:s5], [sflag:$0x3] =	stream.indirect.gather @!p1 [hbm4b:s2+s3], $0x80, s0, s3, $0xb8;
	[tilespmem:$0x1FC00] =	vst v63  }
0x63: {  	s0 =	simm.s32 @!p5 $0xA000;
	s3 =	simm.s32 @!p5 $0x180;
	s5 =	simm.s32 @!p5 $0x40  }
0x64: {  	[tilespmem:s0], [sflag:$0x4] =	stream.indirect.gather @!p5 [hbm4b:s1+s5], $0x80, s3, s5, $0xb8;
	[tilespmem:$0x1FC00] =	vst v63  }
0x65: {  	s5 =	simm.s32 @p0 $0x180;
	s3 =	simm.s32 @p0 $0xA000  }
0x66: {  	[tilespmem:s3], [sflag:$0x4] =	stream.indirect.gather @p0 [hbm4b:s2+s30], $0x80, s5, s30, $0xb8;
	[tilespmem:$0x1FC00] =	vst v63  }
0x67: {  	_ =	swait.ge [sflag:s23], $0x2000  }
0x68: {  	[sflag:s23] =	ssyncset.done $0x0  }
0x69: {  	s20 =	simm.s32 $0x2000;
	s18 =	rddreg [dreg:$0x6];
	[sflag:s23] =	ssyncadd.s32 $0xFFFFE000  }
0x6a: {  	[spmem:s4] =	stream.indirect.scatter.add.f32 [tilespmem:s18], [sflag:$0x5], $0x80, s20, s24, $0xb8;
	[tilespmem:$0x1FC00] =	vst v63  }
0x6b: {  	_ =	swait.ge [sflag:s19], $0x2000  }
0x6c: {  	p3 =	por $0x0, $0x0;
	[sflag:s19] =	ssyncset.done $0x0  }
0x6d: {  	s5 =	simm.s32 @p3 $0x2;
	[sflag:s19] =	ssyncadd.s32 $0xFFFFE000  }
0x6e: {  	s14 =	simm.s32 @p3 $0x5;
	_ =	swait.ge @p3 [sflag:s5], $0x2000  }
0x6f: {  	s15 =	simm.s32 @p3 $0x6000;
	s13 =	simm.s32 @p3 $0x2080;
	[sflag:s5] =	ssyncset.done @p3 $0x0  }
0x70: {  	p1 =	sne.s32 @!p3 s6, $0x0;
	[sflag:s5] =	ssyncadd.s32 @p3 $0xFFFFE000;
	s5 =	simm.s32 @p3 $0x40  }
0x71: {  	[spmem:s4] =	stream.indirect.scatter.add.f32 @p3 [tilespmem:s15], [sflag:$0x5], $0x80, s13, s5, $0xb8;
	[tilespmem:$0x1FC00] =	vst v63  }
0x72: {  	s16 =	simm.s32 @!p3 $0x2;
	p2 =	por p1, p3;
	_ =	swait.ge @p3 [sflag:s14], $0x2000  }
0x73: {  	p1 =	por !p0, p3;
	s5 =	simm.s32 @!p2 $0x40;
	[sflag:s14] =	ssyncset.done @p3 $0x0  }
0x74: {  	s13 =	simm.s32 @!p2 $0x200;
	[sflag:s14] =	ssyncadd.s32 @p3 $0xFFFFE000;
	s14 =	simm.s32 @!p2 $0x4000  }
0x75: {  	[tilespmem:s14], [sflag:$0x1] =	stream.indirect.gather @!p2 [hbm4b:s1+s5], $0x80, s13, s5, $0xb8;
	[tilespmem:$0x1FC00] =	vst v63  }
0x76: {  	s15 =	simm.s32 @!p1 $0x200;
	s13 =	simm.s32 @!p1 $0x40;
	s14 =	simm.s32 @!p1 $0x4000  }
0x77: {  	[tilespmem:s14], [sflag:$0x1] =	stream.indirect.gather @!p1 [hbm4b:s2+s13], $0x80, s15, s13, $0xb8;
	[tilespmem:$0x1FC00] =	vst v63  }
0x78: {  	_ =	swait.ge @!p3 [sflag:s16], $0x2000  }
0x79: {  	s14 =	simm.s32 @!p3 $0x2080;
	[sflag:s16] =	ssyncset.done @!p3 $0x0  }
0x7a: {  	s15 =	simm.s32 @!p3 $0x40;
	[sflag:s16] =	ssyncadd.s32 @!p3 $0xFFFFE000;
	s16 =	simm.s32 @!p3 $0x6000  }
0x7b: {  	[spmem:s4] =	stream.indirect.scatter.add.f32 @!p3 [tilespmem:s16], [sflag:$0x5], $0x80, s14, s15, $0xb8;
	[tilespmem:$0x1FC00] =	vst v63  }
0x7c: {  	s14 =	simm.s32 @!p3 $0x5  }
0x7d: {  	_ =	swait.ge @!p3 [sflag:s14], $0x2000  }
0x7e: {  	[sflag:s14] =	ssyncset.done @!p3 $0x0  }
0x7f: {  	s15 =	simm.s32 @!p2 $0x280;
	[sflag:s14] =	ssyncadd.s32 @!p3 $0xFFFFE000;
	s14 =	simm.s32 @!p2 $0x6000  }
0x80: {  	[tilespmem:s14], [sflag:$0x2] =	stream.indirect.gather @!p2 [hbm4b:s1+s5], $0x80, s15, s5, $0xb8;
	[tilespmem:$0x1FC00] =	vst v63  }
0x81: {  	s14 =	simm.s32 @!p1 $0x280;
	s15 =	simm.s32 @!p1 $0x6000  }
0x82: {  	[tilespmem:s15], [sflag:$0x2] =	stream.indirect.gather @!p1 [hbm4b:s2+s13], $0x80, s14, s13, $0xb8;
	[tilespmem:$0x1FC00] =	vst v63  }
0x83: {  	_ =	swait.ge [sflag:s25], $0x2000  }
0x84: {  	[sflag:s25] =	ssyncset.done $0x0  }
0x85: {  	s22 =	simm.s32 $0x2100;
	s21 =	rddreg [dreg:$0x7];
	[sflag:s25] =	ssyncadd.s32 $0xFFFFE000  }
0x86: {  	[spmem:s4] =	stream.indirect.scatter.add.f32 [tilespmem:s21], [sflag:$0x5], $0x80, s22, s24, $0xb8;
	[tilespmem:$0x1FC00] =	vst v63  }
0x87: {  	_ =	swait.ge [sflag:s19], $0x2000  }
0x88: {  	[sflag:s19] =	ssyncset.done $0x0  }
0x89: {  	s14 =	simm.s32 @!p2 $0x300;
	s15 =	simm.s32 @!p2 $0x8000;
	[sflag:s19] =	ssyncadd.s32 $0xFFFFE000  }
0x8a: {  	[tilespmem:s15], [sflag:$0x3] =	stream.indirect.gather @!p2 [hbm4b:s1+s5], $0x80, s14, s5, $0xb8;
	[tilespmem:$0x1FC00] =	vst v63  }
0x8b: {  	s5 =	simm.s32 @!p1 $0x300;
	s14 =	simm.s32 @!p1 $0x8000  }
0x8c: {  	[tilespmem:s14], [sflag:$0x3] =	stream.indirect.gather @!p1 [hbm4b:s2+s13], $0x80, s5, s13, $0xb8;
	[tilespmem:$0x1FC00] =	vst v63  }
0x8d: {  	_ =	swait.ge [sflag:s26], $0x2000  }
0x8e: {  	[sflag:s26] =	ssyncset.done $0x0  }
0x8f: {  	s29 =	simm.s32 $0x2180;
	s28 =	rddreg [dreg:$0x8];
	[sflag:s26] =	ssyncadd.s32 $0xFFFFE000  }
0x90: {  	[spmem:s4] =	stream.indirect.scatter.add.f32 [tilespmem:s28], [sflag:$0x5], $0x80, s29, s24, $0xb8;
	[tilespmem:$0x1FC00] =	vst v63  }
0x91: {  	s17 =	simm.s32 $0x1000;
	s14 =	simm.s32 $0x800;
	_ =	swait.ge [sflag:s19], $0x2000  }
.LBB2_3:
0x92: {  	s5 =	sshra.s32 @!p5 s14, $0x2;
	s13 =	sshra.s32 @p0 s14, $0x2;
	[sflag:s19] =	ssyncset.done $0x0  }
0x93: {  	s20 =	simm.s32 @!p5 $0x40;
	s5 =	sadd.s32 @!p5 $0x180, s5;
	[sflag:s19] =	ssyncadd.s32 $0xFFFFE000  }
0x94: {  	[tilespmem:s0], [sflag:$0x4] =	stream.indirect.gather @!p5 [hbm4b:s1+s20], $0x80, s5, s20, $0xb8;
	[tilespmem:$0x1FC00] =	vst v63  }
0x95: {  	s15 =	simm.s32 @p0 $0x40;
	s5 =	sadd.s32 @p0 $0x180, s13  }
0x96: {  	[tilespmem:s3], [sflag:$0x4] =	stream.indirect.gather @p0 [hbm4b:s2+s15], $0x80, s5, s15, $0xb8;
	[tilespmem:$0x1FC00] =	vst v63  }
0x97: {  	_ =	swait.ge [sflag:s23], $0x2000  }
0x98: {  	s16 =	sshra.s32 s14, $0x2;
	[sflag:s23] =	ssyncset.done $0x0  }
0x99: {  	s10 =	sadd.s32 $0x2000, s16;
	s18 =	rddreg [dreg:$0x6];
	[sflag:s23] =	ssyncadd.s32 $0xFFFFE000  }
0x9a: {  	[spmem:s4] =	stream.indirect.scatter.add.f32 [tilespmem:s18], [sflag:$0x5], $0x80, s10, s24, $0xb8;
	[tilespmem:$0x1FC00] =	vst v63  }
0x9b: {  	_ =	swait.ge [sflag:s19], $0x2000  }
0x9c: {  	p1 =	seq.s32 s14, $0x7800;
	[sflag:s19] =	ssyncset.done $0x0  }
0x9d: {  	s5 =	simm.s32 @p1 $0x2;
	[sflag:s19] =	ssyncadd.s32 $0xFFFFE000  }
0x9e: {  	p2 =	sne.s32 @!p1 s6, $0x0;
	s11 =	simm.s32 @p1 $0x5;
	_ =	swait.ge @p1 [sflag:s5], $0x2000  }
0x9f: {  	s10 =	sshra.s32 @p1 s14, $0x2;
	s18 =	simm.s32 @p1 $0x6000;
	[sflag:s5] =	ssyncset.done @p1 $0x0  }
0xa0: {  	s10 =	sadd.s32 @p1 $0x2080, s10;
	[sflag:s5] =	ssyncadd.s32 @p1 $0xFFFFE000;
	s5 =	simm.s32 @p1 $0x40  }
0xa1: {  	[spmem:s4] =	stream.indirect.scatter.add.f32 @p1 [tilespmem:s18], [sflag:$0x5], $0x80, s10, s5, $0xb8;
	[tilespmem:$0x1FC00] =	vst v63  }
0xa2: {  	p3 =	por p2, p1;
	p2 =	por !p0, p1;
	_ =	swait.ge @p1 [sflag:s11], $0x2000  }
0xa3: {  	s10 =	sshra.s32 @!p3 s14, $0x2;
	s5 =	simm.s32 @!p3 $0x40;
	[sflag:s11] =	ssyncset.done @p1 $0x0  }
0xa4: {  	s18 =	simm.s32 @!p3 $0x4000;
	[sflag:s11] =	ssyncadd.s32 @p1 $0xFFFFE000;
	s11 =	sadd.s32 @!p3 $0x200, s10  }
0xa5: {  	[tilespmem:s18], [sflag:$0x1] =	stream.indirect.gather @!p3 [hbm4b:s1+s5], $0x80, s11, s5, $0xb8;
	[tilespmem:$0x1FC00] =	vst v63  }
0xa6: {  	s12 =	sshra.s32 @!p1 s14, $0x2;
	s21 =	simm.s32 @!p1 $0x2;
	s11 =	sshra.s32 @!p2 s14, $0x2  }
0xa7: {  	s18 =	simm.s32 @!p2 $0x40;
	s14 =	simm.s32 @!p2 $0x4000;
	s22 =	sadd.s32 @!p2 $0x200, s11  }
0xa8: {  	[tilespmem:s14], [sflag:$0x1] =	stream.indirect.gather @!p2 [hbm4b:s2+s18], $0x80, s22, s18, $0xb8;
	[tilespmem:$0x1FC00] =	vst v63  }
0xa9: {  	_ =	swait.ge @!p1 [sflag:s21], $0x2000  }
0xaa: {  	s29 =	simm.s32 @!p1 $0x6000;
	s12 =	sadd.s32 @!p1 $0x2080, s12;
	[sflag:s21] =	ssyncset.done @!p1 $0x0  }
0xab: {  	s14 =	simm.s32 @!p1 $0x40;
	[sflag:s21] =	ssyncadd.s32 @!p1 $0xFFFFE000;
	s21 =	simm.s32 @!p1 $0x5  }
0xac: {  	[spmem:s4] =	stream.indirect.scatter.add.f32 @!p1 [tilespmem:s29], [sflag:$0x5], $0x80, s12, s14, $0xb8;
	[tilespmem:$0x1FC00] =	vst v63  }
0xad: {  	_ =	swait.ge @!p1 [sflag:s21], $0x2000  }
0xae: {  	s13 =	smov.u32 s17;
	[sflag:s21] =	ssyncset.done @!p1 $0x0  }
0xaf: {  	s22 =	sadd.s32 @!p3 $0x280, s10;
	s12 =	simm.s32 @!p3 $0x6000;
	[sflag:s21] =	ssyncadd.s32 @!p1 $0xFFFFE000  }
0xb0: {  	[tilespmem:s12], [sflag:$0x2] =	stream.indirect.gather @!p3 [hbm4b:s1+s5], $0x80, s22, s5, $0xb8;
	[tilespmem:$0x1FC00] =	vst v63  }
0xb1: {  	s28 =	sadd.s32 @!p2 $0x280, s11;
	s14 =	smov.u32 s13;
	s13 =	simm.s32 @!p2 $0x6000  }
0xb2: {  	[tilespmem:s13], [sflag:$0x2] =	stream.indirect.gather @!p2 [hbm4b:s2+s18], $0x80, s28, s18, $0xb8;
	[tilespmem:$0x1FC00] =	vst v63  }
0xb3: {  	_ =	swait.ge [sflag:s25], $0x2000  }
0xb4: {  	[sflag:s25] =	ssyncset.done $0x0  }
0xb5: {  	s22 =	sadd.s32 $0x2100, s16;
	s21 =	rddreg [dreg:$0x7];
	[sflag:s25] =	ssyncadd.s32 $0xFFFFE000  }
0xb6: {  	[spmem:s4] =	stream.indirect.scatter.add.f32 [tilespmem:s21], [sflag:$0x5], $0x80, s22, s24, $0xb8;
	[tilespmem:$0x1FC00] =	vst v63  }
0xb7: {  	_ =	swait.ge [sflag:s19], $0x2000  }
0xb8: {  	s17 =	sadd.s32 $0x800, s17;
	[sflag:s19] =	ssyncset.done $0x0  }
0xb9: {  	s10 =	sadd.s32 @!p3 $0x300, s10;
	s12 =	simm.s32 @!p3 $0x8000;
	[sflag:s19] =	ssyncadd.s32 $0xFFFFE000  }
0xba: {  	[tilespmem:s12], [sflag:$0x3] =	stream.indirect.gather @!p3 [hbm4b:s1+s5], $0x80, s10, s5, $0xb8;
	[tilespmem:$0x1FC00] =	vst v63  }
0xbb: {  	p6 =	sne.s32 s17, $0x8000;
	s11 =	sadd.s32 @!p2 $0x300, s11;
	s13 =	simm.s32 @!p2 $0x8000  }
0xbc: {  	[tilespmem:s13], [sflag:$0x3] =	stream.indirect.gather @!p2 [hbm4b:s2+s18], $0x80, s11, s18, $0xb8;
	[tilespmem:$0x1FC00] =	vst v63  }
.Ltmp2:
0xbd: {  	_ =	swait.ge [sflag:s26], $0x2000;
	(pc) =	sbr.rel @p6 .LBB2_3-.Ltmp2, $4  }
0xbe: {  	[sflag:s26] =	ssyncset.done $0x0  }
0xbf: {  	s29 =	sadd.s32 $0x2180, s16;
	s28 =	rddreg [dreg:$0x8];
	[sflag:s26] =	ssyncadd.s32 $0xFFFFE000  }
0xc0: {  	[spmem:s4] =	stream.indirect.scatter.add.f32 [tilespmem:s28], [sflag:$0x5], $0x80, s29, s24, $0xb8;
	[tilespmem:$0x1FC00] =	vst v63  }
0xc1: {  	_ =	swait.ge [sflag:s19], $0x2000  }
0xc2: {  	s3 =	sshra.s32 @!p5 s14, $0x2;
	[sflag:s19] =	ssyncset.done $0x0  }
0xc3: {  	s5 =	sshra.s32 @p0 s14, $0x2;
	s3 =	sadd.s32 @!p5 $0x180, s3;
	[sflag:s19] =	ssyncadd.s32 $0xFFFFE000  }
0xc4: {  	[tilespmem:s0], [sflag:$0x4] =	stream.indirect.gather @!p5 [hbm4b:s1+s20], $0x80, s3, s20, $0xb8;
	[tilespmem:$0x1FC00] =	vst v63  }
0xc5: {  	s0 =	sadd.s32 @p0 $0x180, s5;
	s3 =	simm.s32 @p0 $0xA000  }
0xc6: {  	[tilespmem:s3], [sflag:$0x4] =	stream.indirect.gather @p0 [hbm4b:s2+s15], $0x80, s0, s15, $0xb8;
	[tilespmem:$0x1FC00] =	vst v63  }
0xc7: {  	_ =	swait.ge [sflag:s23], $0x2000  }
0xc8: {  	s20 =	sshra.s32 s14, $0x2;
	[sflag:s23] =	ssyncset.done $0x0  }
0xc9: {  	s21 =	sadd.s32 $0x2000, s20;
	s18 =	rddreg [dreg:$0x6];
	[sflag:s23] =	ssyncadd.s32 $0xFFFFE000  }
0xca: {  	[spmem:s4] =	stream.indirect.scatter.add.f32 [tilespmem:s18], [sflag:$0x5], $0x80, s21, s24, $0xb8;
	[tilespmem:$0x1FC00] =	vst v63  }
0xcb: {  	_ =	swait.ge [sflag:s19], $0x2000  }
0xcc: {  	p3 =	seq.s32 s14, $0x7800;
	[sflag:s19] =	ssyncset.done $0x0  }
0xcd: {  	s3 =	simm.s32 @p3 $0x2;
	[sflag:s19] =	ssyncadd.s32 $0xFFFFE000  }
0xce: {  	p1 =	sne.s32 @!p3 s6, $0x0;
	s10 =	simm.s32 @p3 $0x5;
	_ =	swait.ge @p3 [sflag:s3], $0x2000  }
0xcf: {  	s11 =	simm.s32 @p3 $0x6000;
	s5 =	sshra.s32 @p3 s14, $0x2;
	[sflag:s3] =	ssyncset.done @p3 $0x0  }
0xd0: {  	s5 =	sadd.s32 @p3 $0x2080, s5;
	[sflag:s3] =	ssyncadd.s32 @p3 $0xFFFFE000;
	s3 =	simm.s32 @p3 $0x40  }
0xd1: {  	[spmem:s4] =	stream.indirect.scatter.add.f32 @p3 [tilespmem:s11], [sflag:$0x5], $0x80, s5, s3, $0xb8;
	[tilespmem:$0x1FC00] =	vst v63  }
0xd2: {  	p2 =	por p1, p3;
	p1 =	por !p0, p3;
	_ =	swait.ge @p3 [sflag:s10], $0x2000  }
0xd3: {  	s3 =	sshra.s32 @!p2 s14, $0x2;
	s5 =	simm.s32 @!p2 $0x40;
	[sflag:s10] =	ssyncset.done @p3 $0x0  }
0xd4: {  	s11 =	simm.s32 @!p2 $0x4000;
	[sflag:s10] =	ssyncadd.s32 @p3 $0xFFFFE000;
	s10 =	sadd.s32 @!p2 $0x200, s3  }
0xd5: {  	[tilespmem:s11], [sflag:$0x1] =	stream.indirect.gather @!p2 [hbm4b:s1+s5], $0x80, s10, s5, $0xb8;
	[tilespmem:$0x1FC00] =	vst v63  }
0xd6: {  	s12 =	simm.s32 @!p1 $0x4000;
	s10 =	sshra.s32 @!p1 s14, $0x2  }
0xd7: {  	s15 =	simm.s32 @!p3 $0x2;
	s11 =	simm.s32 @!p1 $0x40;
	s13 =	sadd.s32 @!p1 $0x200, s10  }
0xd8: {  	[tilespmem:s12], [sflag:$0x1] =	stream.indirect.gather @!p1 [hbm4b:s2+s11], $0x80, s13, s11, $0xb8;
	[tilespmem:$0x1FC00] =	vst v63  }
0xd9: {  	s12 =	sshra.s32 @!p3 s14, $0x2;
	_ =	swait.ge @!p3 [sflag:s15], $0x2000  }
0xda: {  	s13 =	simm.s32 @!p3 $0x40;
	s14 =	simm.s32 @!p3 $0x6000;
	[sflag:s15] =	ssyncset.done @!p3 $0x0  }
0xdb: {  	s12 =	sadd.s32 @!p3 $0x2080, s12;
	[sflag:s15] =	ssyncadd.s32 @!p3 $0xFFFFE000;
	s15 =	simm.s32 @!p3 $0x5  }
0xdc: {  	[spmem:s4] =	stream.indirect.scatter.add.f32 @!p3 [tilespmem:s14], [sflag:$0x5], $0x80, s12, s13, $0xb8;
	[tilespmem:$0x1FC00] =	vst v63  }
0xdd: {  	_ =	swait.ge @!p3 [sflag:s15], $0x2000  }
0xde: {  	[sflag:s15] =	ssyncset.done @!p3 $0x0  }
0xdf: {  	s12 =	sadd.s32 @!p2 $0x280, s3;
	s13 =	simm.s32 @!p2 $0x6000;
	[sflag:s15] =	ssyncadd.s32 @!p3 $0xFFFFE000  }
0xe0: {  	[tilespmem:s13], [sflag:$0x2] =	stream.indirect.gather @!p2 [hbm4b:s1+s5], $0x80, s12, s5, $0xb8;
	[tilespmem:$0x1FC00] =	vst v63  }
0xe1: {  	s12 =	sadd.s32 @!p1 $0x280, s10;
	s13 =	simm.s32 @!p1 $0x6000  }
0xe2: {  	[tilespmem:s13], [sflag:$0x2] =	stream.indirect.gather @!p1 [hbm4b:s2+s11], $0x80, s12, s11, $0xb8;
	[tilespmem:$0x1FC00] =	vst v63  }
0xe3: {  	_ =	swait.ge [sflag:s25], $0x2000  }
0xe4: {  	[sflag:s25] =	ssyncset.done $0x0  }
0xe5: {  	s28 =	sadd.s32 $0x2100, s20;
	s22 =	rddreg [dreg:$0x7];
	[sflag:s25] =	ssyncadd.s32 $0xFFFFE000  }
0xe6: {  	[spmem:s4] =	stream.indirect.scatter.add.f32 [tilespmem:s22], [sflag:$0x5], $0x80, s28, s24, $0xb8;
	[tilespmem:$0x1FC00] =	vst v63  }
0xe7: {  	_ =	swait.ge [sflag:s19], $0x2000  }
0xe8: {  	[sflag:s19] =	ssyncset.done $0x0  }
0xe9: {  	s3 =	sadd.s32 @!p2 $0x300, s3;
	s12 =	simm.s32 @!p2 $0x8000;
	[sflag:s19] =	ssyncadd.s32 $0xFFFFE000  }
0xea: {  	[tilespmem:s12], [sflag:$0x3] =	stream.indirect.gather @!p2 [hbm4b:s1+s5], $0x80, s3, s5, $0xb8;
	[tilespmem:$0x1FC00] =	vst v63  }
0xeb: {  	s3 =	sadd.s32 @!p1 $0x300, s10;
	s5 =	simm.s32 @!p1 $0x8000  }
0xec: {  	[tilespmem:s5], [sflag:$0x3] =	stream.indirect.gather @!p1 [hbm4b:s2+s11], $0x80, s3, s11, $0xb8;
	[tilespmem:$0x1FC00] =	vst v63  }
0xed: {  	s31 =	sadd.s32 $0x1, s31;
	_ =	swait.ge [sflag:s26], $0x2000  }
0xee: {  	s0 =	sadd.s32 $0x2180, s20;
	p1 =	sne.s32 s31, $0x5;
	[sflag:s26] =	ssyncset.done $0x0  }
.Ltmp3:
0xef: {  	s29 =	rddreg [dreg:$0x8];
	[sflag:s26] =	ssyncadd.s32 $0xFFFFE000;
	(pc) =	sbr.rel @p1 .LBB2_2-.Ltmp3, $4  }
0xf0: {  	[spmem:s4] =	stream.indirect.scatter.add.f32 [tilespmem:s29], [sflag:$0x5], $0x80, s0, s24, $0xb8;
	[tilespmem:$0x1FC00] =	vst v63  }
0xf1: {  	_ =	swait.ge [sflag:s19], $0x2000  }
0xf2: {  	[sflag:s19] =	ssyncset.done $0x0  }
0xf3: {  	[sflag:s19] =	ssyncadd.s32 $0xFFFFE000  }
0xf4: {  	[bflag:$0x0] =	sbarrier.arrive $0xFFFF  }
0xf5: {  	s0 =	sld [smem:$0x7FB];
	_ =	sdelay $0x2  }
0xf6: {  	p1 =	seq.s32 s0, $0x1  }
.Ltmp4:
0xf7: {  	_ = 	snop;
	(pc) =	sbr.rel @!p1 .LBB2_9-.Ltmp4, $1  }
0xf8: {  	_ =	sdelay $0x3  }
0xf9: {  	s0 =	rddreg [dreg:$0xe]  }
0xfa: {  	s10 =	rddreg [dreg:$0x12]  }
.Ltmp5:
0xfb: {  	s3 =	rddreg [dreg:$0x13];
	(pc) =	sbr.rel .LBB2_7-.Ltmp5, $4  }
0xfc: {  	[hbm:s0], [sflag:s10] =	dma.local [spmem:s3], $0x2780  }
0xfd: {  	_ =	swait.ge [sflag:s19], $0x2780  }
0xfe: {  	[sflag:s19] =	ssyncset.done $0x0  }
0xff: {  	[sflag:s19] =	ssyncadd.s32 $0xFFFFD880  }
.LBB2_9:
0x100: {  	s0 =	sld [smem:$0x7FC];
	_ =	sdelay $0x2  }
0x101: {  	p1 =	seq.s32 s0, $0x1  }
.Ltmp6:
0x102: {  	_ = 	snop;
	(pc) =	sbr.rel @p1 .LBB2_10-.Ltmp6, $2  }
0x103: {  	_ =	sdelay $0x2  }
0x104: {  	s10 =	rddreg [dreg:$0x12]  }
.LBB2_7:
0x105: {  	s0 =	sld [smem:$0x7FD];
	_ =	sdelay $0x2  }
0x106: {  	p1 =	seq.s32 s0, $0x1  }
.Ltmp7:
0x107: {  	_ = 	snop;
	(pc) =	sbr.rel @!p1 .LBB2_11-.Ltmp7, $1  }
0x108: {  	_ =	sdelay $0x3  }
0x109: {  	s0 =	rddreg [dreg:$0x10]  }
.Ltmp8:
0x10a: {  	s3 =	rddreg [dreg:$0x13];
	(pc) =	sbr.rel .LBB2_12-.Ltmp8, $4  }
0x10b: {  	[hbm:s0], [sflag:s10] =	dma.local [spmem:s3], $0x2780  }
0x10c: {  	_ =	swait.ge [sflag:s19], $0x2780  }
0x10d: {  	[sflag:s19] =	ssyncset.done $0x0  }
0x10e: {  	s3 =	rddreg [dreg:$0x14];
	[sflag:s19] =	ssyncadd.s32 $0xFFFFD880  }
.LBB2_13:
0x10f: {  	_ =	sfence.sel $0x180000  }
0x110: {  	[bflag:$0x0] =	sbarrier.arrive $0xFFFF  }
0x111: {  	_ =	strace $0x90000047  }
0x112: {  	s0 =	stileid.u32;
	[bflag:$0x2] =	sbarrier.arrive $0xFFFF  }
0x113: {  	p0 =	sne.s32 s0, $0x0;
	s0 =	rddreg [dreg:$0x5]  }
0x114: {  	s0 =	sadd.s32 @!p0 $0x100000, s0  }
0x115: {  	[sflag:s0] =	ssyncadd.tile.s32 @!p0 $0x1;
	_ =	shalt  }
.Lfunc_end2:
_tile_overlayer_lowered:
.L_overlay_start_2:
0x116: {  	(tag) =	ssettag $0x2  }
0x117: {  	s0 =	rddreg [dreg:$0x0];
	s2 =	stileid.u32  }
0x118: {  	s1 =	rddreg [dreg:$0x1];
	p0 =	sne.s32 s2, $0x0  }
0x119: {  	s3 =	rddreg [dreg:$0x2];
	[bflag:$0x3] =	sbarrier.arrive $0xFFFF;
	s2 =	simm.s32 @!p0 $0x1C05  }
0x11a: {  	[timem:s3], [sflag:s2] =	dma.local @!p0 [hbm:s0], s1  }
0x11b: {  	s0 =	simm.s32 @!p0 $0x5  }
0x11c: {  	_ =	swait.ge @!p0 [sflag:s0], s1  }
0x11d: {  	s1 =	ssub.s32 @!p0 $0x0, s1;
	[sflag:s0] =	ssyncset.done @!p0 $0x0  }
0x11e: {  	[sflag:s0] =	ssyncadd.s32 @!p0 s1  }
0x11f: {  	[bflag:$0x3] =	sbarrier.arrive $0xFFFF  }
0x120: {  	_ =	shalt  }

</sc_bundles>
